<compile_context>
chip_gen: v7x
topology: tpu7x:2x2x1
jax: 0.10.2.dev20260603
libtpu: 0.0.44.dev20260713+nightly
codegen_flags: <defaults>
</compile_context>

<pallas_src>
import functools

import jax
import jax.numpy as jnp
import numpy as np
from jax import lax
from jax.experimental import pallas as pl
from jax.experimental.pallas import tpu as pltpu
from jax.experimental.pallas import tpu_sc as plsc

SPARSITY = 0.95
ROW_BLOCK = 256
SC_ROWS = 1280
_NW = 32

_I16_MIN = np.int16(-(2**15))


def _count16(mask):
    c = mask.astype(jnp.int16)
    w = c.shape[1]
    while w > 128:
        c = c[:, : w // 2] + c[:, w // 2 :]
        w //= 2
    return jnp.sum(c.astype(jnp.int32), axis=1, keepdims=True)


def _topk_mask_kernel(x_ref, o_ref, *, k: int):
    xb = x_ref[...]
    s = jax.lax.bitcast_convert_type(xb, jnp.int32)

    h0 = (s >> 16).astype(jnp.int16)
    neg = h0 < 0
    hi = jnp.where(neg, h0 ^ np.int16(0x7FFF), h0)
    l0 = ((s & np.int32(0xFFFF)) - 32768).astype(jnp.int16)
    lo = jnp.where(neg, l0 ^ np.int16(-1), l0)

    pu = jnp.zeros((xb.shape[0], 1), jnp.int32)
    for b in range(15, -1, -1):
        t = pu | np.int32(1 << b)
        pv = (t - 32768).astype(jnp.int16)
        cnt = _count16(hi >= pv)
        pu = jnp.where(cnt >= k, t, pu)
    thr_hi = (pu - 32768).astype(jnp.int16)

    c_gt = _count16(hi > thr_hi)
    w = jnp.where(hi == thr_hi, lo, _I16_MIN)

    pl2 = jnp.zeros((xb.shape[0], 1), jnp.int32)
    for b in range(15, -1, -1):
        t = pl2 | np.int32(1 << b)
        pv = (t - 32768).astype(jnp.int16)
        cnt = _count16(w >= pv)
        pl2 = jnp.where(c_gt + cnt >= k, t, pl2)

    thr_v = ((pu - 32768) << 16) | pl2
    thr_s = jnp.where(thr_v < 0, thr_v ^ np.int32(0x7FFFFFFF), thr_v)
    thr_f = jax.lax.bitcast_convert_type(thr_s, jnp.float32)
    o_ref[...] = jnp.where(xb >= thr_f, xb, jnp.float32(0.0))


def _apply_thr_kernel(x_ref, t_ref, _o1_ref, o_ref):
    o_ref[...] = jnp.where(x_ref[...] >= t_ref[:, :1], x_ref[...],
                           jnp.float32(0.0))


def _sc_thr_body(x_hbm, o_hbm, v_v, x_v, t_v, *, k, rpw, d, row0):
    wid = lax.axis_index("s") * 2 + lax.axis_index("c")
    base = row0 + wid * rpw
    nv = d // 16

    def row_body(r, _):
        pltpu.sync_copy(x_hbm.at[base + r], x_v)

        def enc(i, _):
            for u in range(8):
                o = i * 128 + u * 16
                s = lax.bitcast_convert_type(x_v[pl.ds(o, 16)], jnp.int32)
                v_v[pl.ds(o, 16)] = jnp.where(
                    s < 0, s ^ np.int32(0x7FFFFFFF), s)
            return 0

        lax.fori_loop(0, nv // 8, enc, 0)

        def bit_body(b, pu):
            t = pu | lax.shift_left(np.int32(1), np.int32(31) - b)
            pv = t ^ np.int32(-(2**31))

            def cnt_chunk(j, accs):
                a0, a1, a2, a3 = accs
                for u in range(0, 16, 4):
                    base2 = j * 256 + u * 16
                    a0 = a0 + plsc.all_reduce_population_count(
                        v_v[pl.ds(base2, 16)] >= pv)
                    a1 = a1 + plsc.all_reduce_population_count(
                        v_v[pl.ds(base2 + 16, 16)] >= pv)
                    a2 = a2 + plsc.all_reduce_population_count(
                        v_v[pl.ds(base2 + 32, 16)] >= pv)
                    a3 = a3 + plsc.all_reduce_population_count(
                        v_v[pl.ds(base2 + 48, 16)] >= pv)
                return a0, a1, a2, a3

            z = jnp.zeros((16,), jnp.int32)
            a0, a1, a2, a3 = lax.fori_loop(0, nv // 16, cnt_chunk,
                                           (z, z, z, z))
            cnt = (a0 + a1) + (a2 + a3)
            return jnp.where(cnt >= k, t, pu)

        pu = lax.fori_loop(0, 32, bit_body, jnp.zeros((16,), jnp.int32))
        pv = pu ^ np.int32(-(2**31))
        thr_s = jnp.where(pv < 0, pv ^ np.int32(0x7FFFFFFF), pv)
        thr_f = lax.bitcast_convert_type(thr_s, jnp.float32)
        for u in range(8):
            t_v[pl.ds(u * 16, 16)] = thr_f
        pltpu.sync_copy(t_v, o_hbm.at[wid * rpw + r])
        return 0

    lax.fori_loop(0, rpw, row_body, 0)


def kernel(x):
    d = x.shape[-1]
    k = max(1, int(d * (1.0 - SPARSITY)))
    flat = x.reshape(-1, d)
    rows = flat.shape[0]
    tc_rows = rows - SC_ROWS
    tc_blocks = tc_rows // ROW_BLOCK
    sc_blocks = SC_ROWS // ROW_BLOCK

    thr = pl.kernel(
        functools.partial(_sc_thr_body, k=k, rpw=SC_ROWS // _NW, d=d,
                          row0=tc_rows),
        out_type=jax.ShapeDtypeStruct((SC_ROWS, 128), jnp.float32),
        mesh=plsc.VectorSubcoreMesh(core_axis_name="c", subcore_axis_name="s"),
        compiler_params=pltpu.CompilerParams(needs_layout_passes=False),
        scratch_types=[
            pltpu.VMEM((d,), jnp.int32),
            pltpu.VMEM((d,), jnp.float32),
            pltpu.VMEM((128,), jnp.float32),
        ],
    )(flat)

    o1 = pl.pallas_call(
        functools.partial(_topk_mask_kernel, k=k),
        grid=(tc_blocks,),
        in_specs=[pl.BlockSpec((ROW_BLOCK, d), lambda i: (i, 0))],
        out_specs=pl.BlockSpec((ROW_BLOCK, d), lambda i: (i, 0)),
        out_shape=jax.ShapeDtypeStruct((rows, d), jnp.float32),
        compiler_params=pltpu.CompilerParams(
            dimension_semantics=("arbitrary",),
        ),
    )(flat)

    out = pl.pallas_call(
        _apply_thr_kernel,
        grid=(sc_blocks,),
        in_specs=[
            pl.BlockSpec((ROW_BLOCK, d), lambda i, n=tc_blocks: (i + n, 0)),
            pl.BlockSpec((ROW_BLOCK, 128), lambda i: (i, 0)),
            pl.BlockSpec((ROW_BLOCK, d), lambda i, n=tc_blocks: (i + n, 0)),
        ],
        out_specs=pl.BlockSpec((ROW_BLOCK, d),
                               lambda i, n=tc_blocks: (i + n, 0)),
        out_shape=jax.ShapeDtypeStruct((rows, d), jnp.float32),
        input_output_aliases={2: 0},
    )(flat, thr, o1)
    return out.reshape(x.shape)

# --- scband reference (transcript-rebuilt; emitter-appended) ---
"""Pipeline reference for scband-sparsify-activation-89335319757222 (READ-ONLY COPY).

The authoritative reference and input builder live on the scoring server;
editing this copy changes nothing except your own understanding.
"""

import jax, jax.numpy as jnp
import numpy as np

SPARSITY_TARGET = 0.95
K_RATIO = 1.0 - SPARSITY_TARGET

def setup_inputs(seed: int = 0) -> dict:
    key = jax.random.key(seed)
    x = jax.random.normal(key, (4, 2048, 4096), dtype=jnp.float32)
    return {"x": x}

def reference(x):
    d = x.shape[-1]
    k = max(1, int(d * K_RATIO))
    flat = x.reshape(-1, d)
    vals, idx = jax.lax.top_k(flat, k)
    rows = jnp.arange(flat.shape[0])[:, None]
    out = jnp.zeros_like(flat).at[rows, idx].set(vals)
    return out.reshape(x.shape)

if __name__ == "__main__":
    import jax
    _d = setup_inputs()
    print(jax.jit(kernel)(*tuple(_d.values())))

</pallas_src>

<mosaic_0001>
#map = affine_map<(d0, d1) -> (0, 0)>
module attributes {stable_mosaic.version = 14 : i64} {
  func.func @_sc_thr_body(%arg0: i32, %arg1: i32, %arg2: memref<8192x4096xf32, #tpu.memory_space<hbm>>, %arg3: memref<1280x128xf32, #tpu.memory_space<hbm>>, %arg4: memref<4096xi32, #tpu.memory_space<vmem>>, %arg5: memref<4096xf32, #tpu.memory_space<vmem>>, %arg6: memref<128xf32, #tpu.memory_space<vmem>>) attributes {dimension_semantics = [#tpu.dimension_semantics<core_parallel>, #tpu.dimension_semantics<subcore_parallel>], iteration_bounds = array<i64: 2, 16>, scalar_prefetch = 0 : i64, scratch_operands = 3 : i64, tpu.core_type = #tpu.core_type<sc_vector_subcore>, window_params = [{transform_indices = #map}, {transform_indices = #map}]} {
    %mul3A = arith.constant 2 : i32
    %mul3A_0 = arith.muli %arg1, %mul3A : i32
    %add3A = arith.addi %mul3A_0, %arg0 : i32
    %mul3A_1 = arith.constant 40 : i32
    %mul3A_2 = arith.muli %add3A, %mul3A_1 : i32
    %add3A_3 = arith.constant 6912 : i32
    %add3A_4 = arith.addi %add3A_3, %mul3A_2 : i32
    %scan3A = arith.constant 0 : i32
    %scan3A_5 = arith.constant 0 : i32
    %scan3A_6 = arith.constant 40 : i32
    %scan3A_7 = arith.addi %scan3A_5, %scan3A_6 : i32
    %scan3A_8 = arith.constant 1 : i32
    %scan3A_9 = scf.for %scan3A_11 = %scan3A_5 to %scan3A_7 step %scan3A_8 iter_args(%scan3A_12 = %scan3A) -> (i32)  : i32 {
      %add3A_13 = arith.addi %add3A_4, %scan3A_11 : i32
      "tpu.region"() ({
        %run_scoped3A = tpu.sem_alloc : memref<!tpu.dma_semaphore, #tpu.memory_space<semaphore_mem>>
        %dma_start3A = arith.constant 0 : i32
        %dma_start3A_54 = tpu.memref_slice %arg2[%add3A_13, %dma_start3A] : memref<8192x4096xf32, #tpu.memory_space<hbm>> -> memref<1x4096xf32, #tpu.memory_space<hbm>>
        %dma_start3A_55 = tpu.memref_squeeze %dma_start3A_54 : memref<1x4096xf32, #tpu.memory_space<hbm>> -> memref<4096xf32, #tpu.memory_space<hbm>>
        %dma_start3A_56 = arith.constant 0 : i32
        %dma_start3A_57 = tpu.memref_slice %arg2[%add3A_13, %dma_start3A_56] : memref<8192x4096xf32, #tpu.memory_space<hbm>> -> memref<1x4096xf32, #tpu.memory_space<hbm>>
        %dma_start3A_58 = tpu.memref_squeeze %dma_start3A_57 : memref<1x4096xf32, #tpu.memory_space<hbm>> -> memref<4096xf32, #tpu.memory_space<hbm>>
        tpu.enqueue_dma source(%dma_start3A_58 : memref<4096xf32, #tpu.memory_space<hbm>>) target(%arg5 : memref<4096xf32, #tpu.memory_space<vmem>>) target_semaphore(%run_scoped3A : memref<!tpu.dma_semaphore, #tpu.memory_space<semaphore_mem>>)
        %dma_wait3A = arith.constant 0 : i32
        %dma_wait3A_59 = tpu.memref_slice %arg2[%add3A_13, %dma_wait3A] : memref<8192x4096xf32, #tpu.memory_space<hbm>> -> memref<1x4096xf32, #tpu.memory_space<hbm>>
        %dma_wait3A_60 = tpu.memref_squeeze %dma_wait3A_59 : memref<1x4096xf32, #tpu.memory_space<hbm>> -> memref<4096xf32, #tpu.memory_space<hbm>>
        %dma_wait3A_61 = arith.constant 0 : i32
        %dma_wait3A_62 = tpu.memref_slice %arg2[%add3A_13, %dma_wait3A_61] : memref<8192x4096xf32, #tpu.memory_space<hbm>> -> memref<1x4096xf32, #tpu.memory_space<hbm>>
        %dma_wait3A_63 = tpu.memref_squeeze %dma_wait3A_62 : memref<1x4096xf32, #tpu.memory_space<hbm>> -> memref<4096xf32, #tpu.memory_space<hbm>>
        tpu.wait_dma2 semaphore(%run_scoped3A : memref<!tpu.dma_semaphore, #tpu.memory_space<semaphore_mem>>) src(%dma_wait3A_63 : memref<4096xf32, #tpu.memory_space<hbm>>) dst(%arg5 : memref<4096xf32, #tpu.memory_space<vmem>>)
        tpu.yield
      }) : () -> ()
      %scan3A_14 = arith.constant 0 : i32
      %scan3A_15 = arith.constant 0 : i32
      %scan3A_16 = arith.constant 32 : i32
      %scan3A_17 = arith.addi %scan3A_15, %scan3A_16 : i32
      %scan3A_18 = arith.constant 1 : i32
      %scan3A_19 = scf.for %scan3A_54 = %scan3A_15 to %scan3A_17 step %scan3A_18 iter_args(%scan3A_55 = %scan3A_14) -> (i32)  : i32 {
        %mul3A_56 = arith.constant 128 : i32
        %mul3A_57 = arith.muli %scan3A_54, %mul3A_56 : i32
        %add3A_58 = arith.constant 0 : i32
        %add3A_59 = arith.addi %mul3A_57, %add3A_58 : i32
        %get3A = arith.index_cast %add3A_59 : i32 to index
        %get3A_60 = tpu.vector_load %arg5[%get3A] {strides = array<i32>} : memref<4096xf32, #tpu.memory_space<vmem>>, vector<16xf32>,
        %bitcast_convert_type3A_61 = tpu.bitcast %get3A_60 : vector<16xf32> -> vector<16xi32>
        %lt3A_62 = arith.constant 0 : i32
        %lt3A_63 = vector.broadcast %lt3A_62 : i32 to vector<16xi32>
        %lt3A_64 = arith.cmpi slt, %bitcast_convert_type3A_61, %lt3A_63 : vector<16xi32>
        %xor3A_65 = arith.constant 2147483647 : i32
        %xor3A_66 = vector.broadcast %xor3A_65 : i32 to vector<16xi32>
        %xor3A_67 = arith.xori %bitcast_convert_type3A_61, %xor3A_66 : vector<16xi32>
        %select_n3A_68 = arith.select %lt3A_64, %xor3A_67, %bitcast_convert_type3A_61 : vector<16xi1>, vector<16xi32>
        %swap3A_69 = arith.index_cast %add3A_59 : i32 to index
        %swap3A_70 = tpu.vector_load %arg4[%swap3A_69] {strides = array<i32>} : memref<4096xi32, #tpu.memory_space<vmem>>, vector<16xi32>,
        tpu.vector_store %arg4[%swap3A_69], %select_n3A_68 {strides = array<i32>} : memref<4096xi32, #tpu.memory_space<vmem>>, vector<16xi32>,
        %mul3A_71 = arith.constant 128 : i32
        %mul3A_72 = arith.muli %scan3A_54, %mul3A_71 : i32
        %add3A_73 = arith.constant 16 : i32
        %add3A_74 = arith.addi %mul3A_72, %add3A_73 : i32
        %get3A_75 = arith.index_cast %add3A_74 : i32 to index
        %get3A_76 = tpu.vector_load %arg5[%get3A_75] {strides = array<i32>} : memref<4096xf32, #tpu.memory_space<vmem>>, vector<16xf32>,
        %bitcast_convert_type3A_77 = tpu.bitcast %get3A_76 : vector<16xf32> -> vector<16xi32>
        %lt3A_78 = arith.constant 0 : i32
        %lt3A_79 = vector.broadcast %lt3A_78 : i32 to vector<16xi32>
        %lt3A_80 = arith.cmpi slt, %bitcast_convert_type3A_77, %lt3A_79 : vector<16xi32>
        %xor3A_81 = arith.constant 2147483647 : i32
        %xor3A_82 = vector.broadcast %xor3A_81 : i32 to vector<16xi32>
        %xor3A_83 = arith.xori %bitcast_convert_type3A_77, %xor3A_82 : vector<16xi32>
        %select_n3A_84 = arith.select %lt3A_80, %xor3A_83, %bitcast_convert_type3A_77 : vector<16xi1>, vector<16xi32>
        %swap3A_85 = arith.index_cast %add3A_74 : i32 to index
        %swap3A_86 = tpu.vector_load %arg4[%swap3A_85] {strides = array<i32>} : memref<4096xi32, #tpu.memory_space<vmem>>, vector<16xi32>,
        tpu.vector_store %arg4[%swap3A_85], %select_n3A_84 {strides = array<i32>} : memref<4096xi32, #tpu.memory_space<vmem>>, vector<16xi32>,
        %mul3A_87 = arith.constant 128 : i32
        %mul3A_88 = arith.muli %scan3A_54, %mul3A_87 : i32
        %add3A_89 = arith.constant 32 : i32
        %add3A_90 = arith.addi %mul3A_88, %add3A_89 : i32
        %get3A_91 = arith.index_cast %add3A_90 : i32 to index
        %get3A_92 = tpu.vector_load %arg5[%get3A_91] {strides = array<i32>} : memref<4096xf32, #tpu.memory_space<vmem>>, vector<16xf32>,
        %bitcast_convert_type3A_93 = tpu.bitcast %get3A_92 : vector<16xf32> -> vector<16xi32>
        %lt3A_94 = arith.constant 0 : i32
        %lt3A_95 = vector.broadcast %lt3A_94 : i32 to vector<16xi32>
        %lt3A_96 = arith.cmpi slt, %bitcast_convert_type3A_93, %lt3A_95 : vector<16xi32>
        %xor3A_97 = arith.constant 2147483647 : i32
        %xor3A_98 = vector.broadcast %xor3A_97 : i32 to vector<16xi32>
        %xor3A_99 = arith.xori %bitcast_convert_type3A_93, %xor3A_98 : vector<16xi32>
        %select_n3A_100 = arith.select %lt3A_96, %xor3A_99, %bitcast_convert_type3A_93 : vector<16xi1>, vector<16xi32>
        %swap3A_101 = arith.index_cast %add3A_90 : i32 to index
        %swap3A_102 = tpu.vector_load %arg4[%swap3A_101] {strides = array<i32>} : memref<4096xi32, #tpu.memory_space<vmem>>, vector<16xi32>,
        tpu.vector_store %arg4[%swap3A_101], %select_n3A_100 {strides = array<i32>} : memref<4096xi32, #tpu.memory_space<vmem>>, vector<16xi32>,
        %mul3A_103 = arith.constant 128 : i32
        %mul3A_104 = arith.muli %scan3A_54, %mul3A_103 : i32
        %add3A_105 = arith.constant 48 : i32
        %add3A_106 = arith.addi %mul3A_104, %add3A_105 : i32
        %get3A_107 = arith.index_cast %add3A_106 : i32 to index
        %get3A_108 = tpu.vector_load %arg5[%get3A_107] {strides = array<i32>} : memref<4096xf32, #tpu.memory_space<vmem>>, vector<16xf32>,
        %bitcast_convert_type3A_109 = tpu.bitcast %get3A_108 : vector<16xf32> -> vector<16xi32>
        %lt3A_110 = arith.constant 0 : i32
        %lt3A_111 = vector.broadcast %lt3A_110 : i32 to vector<16xi32>
        %lt3A_112 = arith.cmpi slt, %bitcast_convert_type3A_109, %lt3A_111 : vector<16xi32>
        %xor3A_113 = arith.constant 2147483647 : i32
        %xor3A_114 = vector.broadcast %xor3A_113 : i32 to vector<16xi32>
        %xor3A_115 = arith.xori %bitcast_convert_type3A_109, %xor3A_114 : vector<16xi32>
        %select_n3A_116 = arith.select %lt3A_112, %xor3A_115, %bitcast_convert_type3A_109 : vector<16xi1>, vector<16xi32>
        %swap3A_117 = arith.index_cast %add3A_106 : i32 to index
        %swap3A_118 = tpu.vector_load %arg4[%swap3A_117] {strides = array<i32>} : memref<4096xi32, #tpu.memory_space<vmem>>, vector<16xi32>,
        tpu.vector_store %arg4[%swap3A_117], %select_n3A_116 {strides = array<i32>} : memref<4096xi32, #tpu.memory_space<vmem>>, vector<16xi32>,
        %mul3A_119 = arith.constant 128 : i32
        %mul3A_120 = arith.muli %scan3A_54, %mul3A_119 : i32
        %add3A_121 = arith.constant 64 : i32
        %add3A_122 = arith.addi %mul3A_120, %add3A_121 : i32
        %get3A_123 = arith.index_cast %add3A_122 : i32 to index
        %get3A_124 = tpu.vector_load %arg5[%get3A_123] {strides = array<i32>} : memref<4096xf32, #tpu.memory_space<vmem>>, vector<16xf32>,
        %bitcast_convert_type3A_125 = tpu.bitcast %get3A_124 : vector<16xf32> -> vector<16xi32>
        %lt3A_126 = arith.constant 0 : i32
        %lt3A_127 = vector.broadcast %lt3A_126 : i32 to vector<16xi32>
        %lt3A_128 = arith.cmpi slt, %bitcast_convert_type3A_125, %lt3A_127 : vector<16xi32>
        %xor3A_129 = arith.constant 2147483647 : i32
        %xor3A_130 = vector.broadcast %xor3A_129 : i32 to vector<16xi32>
        %xor3A_131 = arith.xori %bitcast_convert_type3A_125, %xor3A_130 : vector<16xi32>
        %select_n3A_132 = arith.select %lt3A_128, %xor3A_131, %bitcast_convert_type3A_125 : vector<16xi1>, vector<16xi32>
        %swap3A_133 = arith.index_cast %add3A_122 : i32 to index
        %swap3A_134 = tpu.vector_load %arg4[%swap3A_133] {strides = array<i32>} : memref<4096xi32, #tpu.memory_space<vmem>>, vector<16xi32>,
        tpu.vector_store %arg4[%swap3A_133], %select_n3A_132 {strides = array<i32>} : memref<4096xi32, #tpu.memory_space<vmem>>, vector<16xi32>,
        %mul3A_135 = arith.constant 128 : i32
        %mul3A_136 = arith.muli %scan3A_54, %mul3A_135 : i32
        %add3A_137 = arith.constant 80 : i32
        %add3A_138 = arith.addi %mul3A_136, %add3A_137 : i32
        %get3A_139 = arith.index_cast %add3A_138 : i32 to index
        %get3A_140 = tpu.vector_load %arg5[%get3A_139] {strides = array<i32>} : memref<4096xf32, #tpu.memory_space<vmem>>, vector<16xf32>,
        %bitcast_convert_type3A_141 = tpu.bitcast %get3A_140 : vector<16xf32> -> vector<16xi32>
        %lt3A_142 = arith.constant 0 : i32
        %lt3A_143 = vector.broadcast %lt3A_142 : i32 to vector<16xi32>
        %lt3A_144 = arith.cmpi slt, %bitcast_convert_type3A_141, %lt3A_143 : vector<16xi32>
        %xor3A_145 = arith.constant 2147483647 : i32
        %xor3A_146 = vector.broadcast %xor3A_145 : i32 to vector<16xi32>
        %xor3A_147 = arith.xori %bitcast_convert_type3A_141, %xor3A_146 : vector<16xi32>
        %select_n3A_148 = arith.select %lt3A_144, %xor3A_147, %bitcast_convert_type3A_141 : vector<16xi1>, vector<16xi32>
        %swap3A_149 = arith.index_cast %add3A_138 : i32 to index
        %swap3A_150 = tpu.vector_load %arg4[%swap3A_149] {strides = array<i32>} : memref<4096xi32, #tpu.memory_space<vmem>>, vector<16xi32>,
        tpu.vector_store %arg4[%swap3A_149], %select_n3A_148 {strides = array<i32>} : memref<4096xi32, #tpu.memory_space<vmem>>, vector<16xi32>,
        %mul3A_151 = arith.constant 128 : i32
        %mul3A_152 = arith.muli %scan3A_54, %mul3A_151 : i32
        %add3A_153 = arith.constant 96 : i32
        %add3A_154 = arith.addi %mul3A_152, %add3A_153 : i32
        %get3A_155 = arith.index_cast %add3A_154 : i32 to index
        %get3A_156 = tpu.vector_load %arg5[%get3A_155] {strides = array<i32>} : memref<4096xf32, #tpu.memory_space<vmem>>, vector<16xf32>,
        %bitcast_convert_type3A_157 = tpu.bitcast %get3A_156 : vector<16xf32> -> vector<16xi32>
        %lt3A_158 = arith.constant 0 : i32
        %lt3A_159 = vector.broadcast %lt3A_158 : i32 to vector<16xi32>
        %lt3A_160 = arith.cmpi slt, %bitcast_convert_type3A_157, %lt3A_159 : vector<16xi32>
        %xor3A_161 = arith.constant 2147483647 : i32
        %xor3A_162 = vector.broadcast %xor3A_161 : i32 to vector<16xi32>
        %xor3A_163 = arith.xori %bitcast_convert_type3A_157, %xor3A_162 : vector<16xi32>
        %select_n3A_164 = arith.select %lt3A_160, %xor3A_163, %bitcast_convert_type3A_157 : vector<16xi1>, vector<16xi32>
        %swap3A_165 = arith.index_cast %add3A_154 : i32 to index
        %swap3A_166 = tpu.vector_load %arg4[%swap3A_165] {strides = array<i32>} : memref<4096xi32, #tpu.memory_space<vmem>>, vector<16xi32>,
        tpu.vector_store %arg4[%swap3A_165], %select_n3A_164 {strides = array<i32>} : memref<4096xi32, #tpu.memory_space<vmem>>, vector<16xi32>,
        %mul3A_167 = arith.constant 128 : i32
        %mul3A_168 = arith.muli %scan3A_54, %mul3A_167 : i32
        %add3A_169 = arith.constant 112 : i32
        %add3A_170 = arith.addi %mul3A_168, %add3A_169 : i32
        %get3A_171 = arith.index_cast %add3A_170 : i32 to index
        %get3A_172 = tpu.vector_load %arg5[%get3A_171] {strides = array<i32>} : memref<4096xf32, #tpu.memory_space<vmem>>, vector<16xf32>,
        %bitcast_convert_type3A_173 = tpu.bitcast %get3A_172 : vector<16xf32> -> vector<16xi32>
        %lt3A_174 = arith.constant 0 : i32
        %lt3A_175 = vector.broadcast %lt3A_174 : i32 to vector<16xi32>
        %lt3A_176 = arith.cmpi slt, %bitcast_convert_type3A_173, %lt3A_175 : vector<16xi32>
        %xor3A_177 = arith.constant 2147483647 : i32
        %xor3A_178 = vector.broadcast %xor3A_177 : i32 to vector<16xi32>
        %xor3A_179 = arith.xori %bitcast_convert_type3A_173, %xor3A_178 : vector<16xi32>
        %select_n3A_180 = arith.select %lt3A_176, %xor3A_179, %bitcast_convert_type3A_173 : vector<16xi1>, vector<16xi32>
        %swap3A_181 = arith.index_cast %add3A_170 : i32 to index
        %swap3A_182 = tpu.vector_load %arg4[%swap3A_181] {strides = array<i32>} : memref<4096xi32, #tpu.memory_space<vmem>>, vector<16xi32>,
        tpu.vector_store %arg4[%swap3A_181], %select_n3A_180 {strides = array<i32>} : memref<4096xi32, #tpu.memory_space<vmem>>, vector<16xi32>,
        %scan3A_183 = arith.constant 0 : i32
        scf.yield %scan3A_183 : i32
      }
      %scan3A_20 = arith.constant 32 : i32
      %broadcast_in_dim3A = arith.constant 0 : i32
      %broadcast_in_dim3A_21 = vector.broadcast %broadcast_in_dim3A : i32 to vector<16xi32>
      %scan3A_22 = arith.constant 0 : i32
      %scan3A_23 = arith.constant 32 : i32
      %scan3A_24 = arith.addi %scan3A_22, %scan3A_23 : i32
      %scan3A_25 = arith.constant 1 : i32
      %scan3A_26 = scf.for %scan3A_54 = %scan3A_22 to %scan3A_24 step %scan3A_25 iter_args(%scan3A_55 = %broadcast_in_dim3A_21) -> (vector<16xi32>)  : i32 {
        %sub3A = arith.constant 31 : i32
        %sub3A_56 = arith.subi %sub3A, %scan3A_54 : i32
        %shift_left3A = arith.constant 1 : i32
        %shift_left3A_57 = arith.shli %shift_left3A, %sub3A_56 : i32
        %or3A = vector.broadcast %shift_left3A_57 : i32 to vector<16xi32>
        %or3A_58 = arith.ori %scan3A_55, %or3A : vector<16xi32>
        %xor3A_59 = arith.constant -2147483648 : i32
        %xor3A_60 = vector.broadcast %xor3A_59 : i32 to vector<16xi32>
        %xor3A_61 = arith.xori %or3A_58, %xor3A_60 : vector<16xi32>
        %broadcast_in_dim3A_62 = arith.constant 0 : i32
        %broadcast_in_dim3A_63 = vector.broadcast %broadcast_in_dim3A_62 : i32 to vector<16xi32>
        %scan3A_64 = arith.constant 0 : i32
        %scan3A_65 = arith.constant 16 : i32
        %scan3A_66 = arith.addi %scan3A_64, %scan3A_65 : i32
        %scan3A_67 = arith.constant 1 : i32
        %scan3A_68:4 = scf.for %scan3A_76 = %scan3A_64 to %scan3A_66 step %scan3A_67 iter_args(%scan3A_77 = %broadcast_in_dim3A_63, %scan3A_78 = %broadcast_in_dim3A_63, %scan3A_79 = %broadcast_in_dim3A_63, %scan3A_80 = %broadcast_in_dim3A_63) -> (vector<16xi32>, vector<16xi32>, vector<16xi32>, vector<16xi32>)  : i32 {
          %mul3A_81 = arith.constant 256 : i32
          %mul3A_82 = arith.muli %scan3A_76, %mul3A_81 : i32
          %add3A_83 = arith.constant 0 : i32
          %add3A_84 = arith.addi %mul3A_82, %add3A_83 : i32
          %get3A = arith.index_cast %add3A_84 : i32 to index
          %get3A_85 = tpu.vector_load %arg4[%get3A] {strides = array<i32>} : memref<4096xi32, #tpu.memory_space<vmem>>, vector<16xi32>,
          %ge3A_86 = arith.cmpi sge, %get3A_85, %xor3A_61 : vector<16xi32>
          %all_reduce_population_count3A = tpu.all_reduce %ge3A_86 {dim = 0 : i64, kind = #tpu.reduction_kind<sum>} : vector<16xi1> -> vector<16xi32>
          %add3A_87 = arith.addi %scan3A_77, %all_reduce_population_count3A : vector<16xi32>
          %add3A_88 = arith.constant 16 : i32
          %add3A_89 = arith.addi %add3A_84, %add3A_88 : i32
          %get3A_90 = arith.index_cast %add3A_89 : i32 to index
          %get3A_91 = tpu.vector_load %arg4[%get3A_90] {strides = array<i32>} : memref<4096xi32, #tpu.memory_space<vmem>>, vector<16xi32>,
          %ge3A_92 = arith.cmpi sge, %get3A_91, %xor3A_61 : vector<16xi32>
          %all_reduce_population_count3A_93 = tpu.all_reduce %ge3A_92 {dim = 0 : i64, kind = #tpu.reduction_kind<sum>} : vector<16xi1> -> vector<16xi32>
          %add3A_94 = arith.addi %scan3A_78, %all_reduce_population_count3A_93 : vector<16xi32>
          %add3A_95 = arith.constant 32 : i32
          %add3A_96 = arith.addi %add3A_84, %add3A_95 : i32
          %get3A_97 = arith.index_cast %add3A_96 : i32 to index
          %get3A_98 = tpu.vector_load %arg4[%get3A_97] {strides = array<i32>} : memref<4096xi32, #tpu.memory_space<vmem>>, vector<16xi32>,
          %ge3A_99 = arith.cmpi sge, %get3A_98, %xor3A_61 : vector<16xi32>
          %all_reduce_population_count3A_100 = tpu.all_reduce %ge3A_99 {dim = 0 : i64, kind = #tpu.reduction_kind<sum>} : vector<16xi1> -> vector<16xi32>
          %add3A_101 = arith.addi %scan3A_79, %all_reduce_population_count3A_100 : vector<16xi32>
          %add3A_102 = arith.constant 48 : i32
          %add3A_103 = arith.addi %add3A_84, %add3A_102 : i32
          %get3A_104 = arith.index_cast %add3A_103 : i32 to index
          %get3A_105 = tpu.vector_load %arg4[%get3A_104] {strides = array<i32>} : memref<4096xi32, #tpu.memory_space<vmem>>, vector<16xi32>,
          %ge3A_106 = arith.cmpi sge, %get3A_105, %xor3A_61 : vector<16xi32>
          %all_reduce_population_count3A_107 = tpu.all_reduce %ge3A_106 {dim = 0 : i64, kind = #tpu.reduction_kind<sum>} : vector<16xi1> -> vector<16xi32>
          %add3A_108 = arith.addi %scan3A_80, %all_reduce_population_count3A_107 : vector<16xi32>
          %mul3A_109 = arith.constant 256 : i32
          %mul3A_110 = arith.muli %scan3A_76, %mul3A_109 : i32
          %add3A_111 = arith.constant 64 : i32
          %add3A_112 = arith.addi %mul3A_110, %add3A_111 : i32
          %get3A_113 = arith.index_cast %add3A_112 : i32 to index
          %get3A_114 = tpu.vector_load %arg4[%get3A_113] {strides = array<i32>} : memref<4096xi32, #tpu.memory_space<vmem>>, vector<16xi32>,
          %ge3A_115 = arith.cmpi sge, %get3A_114, %xor3A_61 : vector<16xi32>
          %all_reduce_population_count3A_116 = tpu.all_reduce %ge3A_115 {dim = 0 : i64, kind = #tpu.reduction_kind<sum>} : vector<16xi1> -> vector<16xi32>
          %add3A_117 = arith.addi %add3A_87, %all_reduce_population_count3A_116 : vector<16xi32>
          %add3A_118 = arith.constant 16 : i32
          %add3A_119 = arith.addi %add3A_112, %add3A_118 : i32
          %get3A_120 = arith.index_cast %add3A_119 : i32 to index
          %get3A_121 = tpu.vector_load %arg4[%get3A_120] {strides = array<i32>} : memref<4096xi32, #tpu.memory_space<vmem>>, vector<16xi32>,
          %ge3A_122 = arith.cmpi sge, %get3A_121, %xor3A_61 : vector<16xi32>
          %all_reduce_population_count3A_123 = tpu.all_reduce %ge3A_122 {dim = 0 : i64, kind = #tpu.reduction_kind<sum>} : vector<16xi1> -> vector<16xi32>
          %add3A_124 = arith.addi %add3A_94, %all_reduce_population_count3A_123 : vector<16xi32>
          %add3A_125 = arith.constant 32 : i32
          %add3A_126 = arith.addi %add3A_112, %add3A_125 : i32
          %get3A_127 = arith.index_cast %add3A_126 : i32 to index
          %get3A_128 = tpu.vector_load %arg4[%get3A_127] {strides = array<i32>} : memref<4096xi32, #tpu.memory_space<vmem>>, vector<16xi32>,
          %ge3A_129 = arith.cmpi sge, %get3A_128, %xor3A_61 : vector<16xi32>
          %all_reduce_population_count3A_130 = tpu.all_reduce %ge3A_129 {dim = 0 : i64, kind = #tpu.reduction_kind<sum>} : vector<16xi1> -> vector<16xi32>
          %add3A_131 = arith.addi %add3A_101, %all_reduce_population_count3A_130 : vector<16xi32>
          %add3A_132 = arith.constant 48 : i32
          %add3A_133 = arith.addi %add3A_112, %add3A_132 : i32
          %get3A_134 = arith.index_cast %add3A_133 : i32 to index
          %get3A_135 = tpu.vector_load %arg4[%get3A_134] {strides = array<i32>} : memref<4096xi32, #tpu.memory_space<vmem>>, vector<16xi32>,
          %ge3A_136 = arith.cmpi sge, %get3A_135, %xor3A_61 : vector<16xi32>
          %all_reduce_population_count3A_137 = tpu.all_reduce %ge3A_136 {dim = 0 : i64, kind = #tpu.reduction_kind<sum>} : vector<16xi1> -> vector<16xi32>
          %add3A_138 = arith.addi %add3A_108, %all_reduce_population_count3A_137 : vector<16xi32>
          %mul3A_139 = arith.constant 256 : i32
          %mul3A_140 = arith.muli %scan3A_76, %mul3A_139 : i32
          %add3A_141 = arith.constant 128 : i32
          %add3A_142 = arith.addi %mul3A_140, %add3A_141 : i32
          %get3A_143 = arith.index_cast %add3A_142 : i32 to index
          %get3A_144 = tpu.vector_load %arg4[%get3A_143] {strides = array<i32>} : memref<4096xi32, #tpu.memory_space<vmem>>, vector<16xi32>,
          %ge3A_145 = arith.cmpi sge, %get3A_144, %xor3A_61 : vector<16xi32>
          %all_reduce_population_count3A_146 = tpu.all_reduce %ge3A_145 {dim = 0 : i64, kind = #tpu.reduction_kind<sum>} : vector<16xi1> -> vector<16xi32>
          %add3A_147 = arith.addi %add3A_117, %all_reduce_population_count3A_146 : vector<16xi32>
          %add3A_148 = arith.constant 16 : i32
          %add3A_149 = arith.addi %add3A_142, %add3A_148 : i32
          %get3A_150 = arith.index_cast %add3A_149 : i32 to index
          %get3A_151 = tpu.vector_load %arg4[%get3A_150] {strides = array<i32>} : memref<4096xi32, #tpu.memory_space<vmem>>, vector<16xi32>,
          %ge3A_152 = arith.cmpi sge, %get3A_151, %xor3A_61 : vector<16xi32>
          %all_reduce_population_count3A_153 = tpu.all_reduce %ge3A_152 {dim = 0 : i64, kind = #tpu.reduction_kind<sum>} : vector<16xi1> -> vector<16xi32>
          %add3A_154 = arith.addi %add3A_124, %all_reduce_population_count3A_153 : vector<16xi32>
          %add3A_155 = arith.constant 32 : i32
          %add3A_156 = arith.addi %add3A_142, %add3A_155 : i32
          %get3A_157 = arith.index_cast %add3A_156 : i32 to index
          %get3A_158 = tpu.vector_load %arg4[%get3A_157] {strides = array<i32>} : memref<4096xi32, #tpu.memory_space<vmem>>, vector<16xi32>,
          %ge3A_159 = arith.cmpi sge, %get3A_158, %xor3A_61 : vector<16xi32>
          %all_reduce_population_count3A_160 = tpu.all_reduce %ge3A_159 {dim = 0 : i64, kind = #tpu.reduction_kind<sum>} : vector<16xi1> -> vector<16xi32>
          %add3A_161 = arith.addi %add3A_131, %all_reduce_population_count3A_160 : vector<16xi32>
          %add3A_162 = arith.constant 48 : i32
          %add3A_163 = arith.addi %add3A_142, %add3A_162 : i32
          %get3A_164 = arith.index_cast %add3A_163 : i32 to index
          %get3A_165 = tpu.vector_load %arg4[%get3A_164] {strides = array<i32>} : memref<4096xi32, #tpu.memory_space<vmem>>, vector<16xi32>,
          %ge3A_166 = arith.cmpi sge, %get3A_165, %xor3A_61 : vector<16xi32>
          %all_reduce_population_count3A_167 = tpu.all_reduce %ge3A_166 {dim = 0 : i64, kind = #tpu.reduction_kind<sum>} : vector<16xi1> -> vector<16xi32>
          %add3A_168 = arith.addi %add3A_138, %all_reduce_population_count3A_167 : vector<16xi32>
          %mul3A_169 = arith.constant 256 : i32
          %mul3A_170 = arith.muli %scan3A_76, %mul3A_169 : i32
          %add3A_171 = arith.constant 192 : i32
          %add3A_172 = arith.addi %mul3A_170, %add3A_171 : i32
          %get3A_173 = arith.index_cast %add3A_172 : i32 to index
          %get3A_174 = tpu.vector_load %arg4[%get3A_173] {strides = array<i32>} : memref<4096xi32, #tpu.memory_space<vmem>>, vector<16xi32>,
          %ge3A_175 = arith.cmpi sge, %get3A_174, %xor3A_61 : vector<16xi32>
          %all_reduce_population_count3A_176 = tpu.all_reduce %ge3A_175 {dim = 0 : i64, kind = #tpu.reduction_kind<sum>} : vector<16xi1> -> vector<16xi32>
          %add3A_177 = arith.addi %add3A_147, %all_reduce_population_count3A_176 : vector<16xi32>
          %add3A_178 = arith.constant 16 : i32
          %add3A_179 = arith.addi %add3A_172, %add3A_178 : i32
          %get3A_180 = arith.index_cast %add3A_179 : i32 to index
          %get3A_181 = tpu.vector_load %arg4[%get3A_180] {strides = array<i32>} : memref<4096xi32, #tpu.memory_space<vmem>>, vector<16xi32>,
          %ge3A_182 = arith.cmpi sge, %get3A_181, %xor3A_61 : vector<16xi32>
          %all_reduce_population_count3A_183 = tpu.all_reduce %ge3A_182 {dim = 0 : i64, kind = #tpu.reduction_kind<sum>} : vector<16xi1> -> vector<16xi32>
          %add3A_184 = arith.addi %add3A_154, %all_reduce_population_count3A_183 : vector<16xi32>
          %add3A_185 = arith.constant 32 : i32
          %add3A_186 = arith.addi %add3A_172, %add3A_185 : i32
          %get3A_187 = arith.index_cast %add3A_186 : i32 to index
          %get3A_188 = tpu.vector_load %arg4[%get3A_187] {strides = array<i32>} : memref<4096xi32, #tpu.memory_space<vmem>>, vector<16xi32>,
          %ge3A_189 = arith.cmpi sge, %get3A_188, %xor3A_61 : vector<16xi32>
          %all_reduce_population_count3A_190 = tpu.all_reduce %ge3A_189 {dim = 0 : i64, kind = #tpu.reduction_kind<sum>} : vector<16xi1> -> vector<16xi32>
          %add3A_191 = arith.addi %add3A_161, %all_reduce_population_count3A_190 : vector<16xi32>
          %add3A_192 = arith.constant 48 : i32
          %add3A_193 = arith.addi %add3A_172, %add3A_192 : i32
          %get3A_194 = arith.index_cast %add3A_193 : i32 to index
          %get3A_195 = tpu.vector_load %arg4[%get3A_194] {strides = array<i32>} : memref<4096xi32, #tpu.memory_space<vmem>>, vector<16xi32>,
          %ge3A_196 = arith.cmpi sge, %get3A_195, %xor3A_61 : vector<16xi32>
          %all_reduce_population_count3A_197 = tpu.all_reduce %ge3A_196 {dim = 0 : i64, kind = #tpu.reduction_kind<sum>} : vector<16xi1> -> vector<16xi32>
          %add3A_198 = arith.addi %add3A_168, %all_reduce_population_count3A_197 : vector<16xi32>
          scf.yield %add3A_177, %add3A_184, %add3A_191, %add3A_198 : vector<16xi32>, vector<16xi32>, vector<16xi32>, vector<16xi32>
        }
        %scan3A_69 = arith.constant 16 : i32
        %add3A_70 = arith.addi %scan3A_68#0, %scan3A_68#1 : vector<16xi32>
        %add3A_71 = arith.addi %scan3A_68#2, %scan3A_68#3 : vector<16xi32>
        %add3A_72 = arith.addi %add3A_70, %add3A_71 : vector<16xi32>
        %ge3A = arith.constant 204 : i32
        %ge3A_73 = vector.broadcast %ge3A : i32 to vector<16xi32>
        %ge3A_74 = arith.cmpi sge, %add3A_72, %ge3A_73 : vector<16xi32>
        %select_n3A_75 = arith.select %ge3A_74, %or3A_58, %scan3A_55 : vector<16xi1>, vector<16xi32>
        scf.yield %select_n3A_75 : vector<16xi32>
      }
      %scan3A_27 = arith.constant 32 : i32
      %xor3A = arith.constant -2147483648 : i32
      %xor3A_28 = vector.broadcast %xor3A : i32 to vector<16xi32>
      %xor3A_29 = arith.xori %scan3A_26, %xor3A_28 : vector<16xi32>
      %lt3A = arith.constant 0 : i32
      %lt3A_30 = vector.broadcast %lt3A : i32 to vector<16xi32>
      %lt3A_31 = arith.cmpi slt, %xor3A_29, %lt3A_30 : vector<16xi32>
      %xor3A_32 = arith.constant 2147483647 : i32
      %xor3A_33 = vector.broadcast %xor3A_32 : i32 to vector<16xi32>
      %xor3A_34 = arith.xori %xor3A_29, %xor3A_33 : vector<16xi32>
      %select_n3A = arith.select %lt3A_31, %xor3A_34, %xor3A_29 : vector<16xi1>, vector<16xi32>
      %bitcast_convert_type3A = tpu.bitcast %select_n3A : vector<16xi32> -> vector<16xf32>
      %swap3A = arith.constant 0 : index
      %swap3A_35 = tpu.vector_load %arg6[%swap3A] {strides = array<i32>} : memref<128xf32, #tpu.memory_space<vmem>>, vector<16xf32>,
      tpu.vector_store %arg6[%swap3A], %bitcast_convert_type3A {strides = array<i32>} : memref<128xf32, #tpu.memory_space<vmem>>, vector<16xf32>,
      %swap3A_36 = arith.constant 16 : index
      %swap3A_37 = tpu.vector_load %arg6[%swap3A_36] {strides = array<i32>} : memref<128xf32, #tpu.memory_space<vmem>>, vector<16xf32>,
      tpu.vector_store %arg6[%swap3A_36], %bitcast_convert_type3A {strides = array<i32>} : memref<128xf32, #tpu.memory_space<vmem>>, vector<16xf32>,
      %swap3A_38 = arith.constant 32 : index
      %swap3A_39 = tpu.vector_load %arg6[%swap3A_38] {strides = array<i32>} : memref<128xf32, #tpu.memory_space<vmem>>, vector<16xf32>,
      tpu.vector_store %arg6[%swap3A_38], %bitcast_convert_type3A {strides = array<i32>} : memref<128xf32, #tpu.memory_space<vmem>>, vector<16xf32>,
      %swap3A_40 = arith.constant 48 : index
      %swap3A_41 = tpu.vector_load %arg6[%swap3A_40] {strides = array<i32>} : memref<128xf32, #tpu.memory_space<vmem>>, vector<16xf32>,
      tpu.vector_store %arg6[%swap3A_40], %bitcast_convert_type3A {strides = array<i32>} : memref<128xf32, #tpu.memory_space<vmem>>, vector<16xf32>,
      %swap3A_42 = arith.constant 64 : index
      %swap3A_43 = tpu.vector_load %arg6[%swap3A_42] {strides = array<i32>} : memref<128xf32, #tpu.memory_space<vmem>>, vector<16xf32>,
      tpu.vector_store %arg6[%swap3A_42], %bitcast_convert_type3A {strides = array<i32>} : memref<128xf32, #tpu.memory_space<vmem>>, vector<16xf32>,
      %swap3A_44 = arith.constant 80 : index
      %swap3A_45 = tpu.vector_load %arg6[%swap3A_44] {strides = array<i32>} : memref<128xf32, #tpu.memory_space<vmem>>, vector<16xf32>,
      tpu.vector_store %arg6[%swap3A_44], %bitcast_convert_type3A {strides = array<i32>} : memref<128xf32, #tpu.memory_space<vmem>>, vector<16xf32>,
      %swap3A_46 = arith.constant 96 : index
      %swap3A_47 = tpu.vector_load %arg6[%swap3A_46] {strides = array<i32>} : memref<128xf32, #tpu.memory_space<vmem>>, vector<16xf32>,
      tpu.vector_store %arg6[%swap3A_46], %bitcast_convert_type3A {strides = array<i32>} : memref<128xf32, #tpu.memory_space<vmem>>, vector<16xf32>,
      %swap3A_48 = arith.constant 112 : index
      %swap3A_49 = tpu.vector_load %arg6[%swap3A_48] {strides = array<i32>} : memref<128xf32, #tpu.memory_space<vmem>>, vector<16xf32>,
      tpu.vector_store %arg6[%swap3A_48], %bitcast_convert_type3A {strides = array<i32>} : memref<128xf32, #tpu.memory_space<vmem>>, vector<16xf32>,
      %mul3A_50 = arith.constant 40 : i32
      %mul3A_51 = arith.muli %add3A, %mul3A_50 : i32
      %add3A_52 = arith.addi %mul3A_51, %scan3A_11 : i32
      "tpu.region"() ({
        %run_scoped3A = tpu.sem_alloc : memref<!tpu.dma_semaphore, #tpu.memory_space<semaphore_mem>>
        %dma_start3A = arith.constant 0 : i32
        %dma_start3A_54 = tpu.memref_slice %arg3[%add3A_52, %dma_start3A] : memref<1280x128xf32, #tpu.memory_space<hbm>> -> memref<1x128xf32, #tpu.memory_space<hbm>>
        %dma_start3A_55 = tpu.memref_squeeze %dma_start3A_54 : memref<1x128xf32, #tpu.memory_space<hbm>> -> memref<128xf32, #tpu.memory_space<hbm>>
        %dma_start3A_56 = arith.constant 0 : i32
        %dma_start3A_57 = tpu.memref_slice %arg3[%add3A_52, %dma_start3A_56] : memref<1280x128xf32, #tpu.memory_space<hbm>> -> memref<1x128xf32, #tpu.memory_space<hbm>>
        %dma_start3A_58 = tpu.memref_squeeze %dma_start3A_57 : memref<1x128xf32, #tpu.memory_space<hbm>> -> memref<128xf32, #tpu.memory_space<hbm>>
        tpu.enqueue_dma source(%arg6 : memref<128xf32, #tpu.memory_space<vmem>>) target(%dma_start3A_58 : memref<128xf32, #tpu.memory_space<hbm>>) target_semaphore(%run_scoped3A : memref<!tpu.dma_semaphore, #tpu.memory_space<semaphore_mem>>)
        %dma_wait3A = arith.constant 0 : i32
        %dma_wait3A_59 = tpu.memref_slice %arg3[%add3A_52, %dma_wait3A] : memref<1280x128xf32, #tpu.memory_space<hbm>> -> memref<1x128xf32, #tpu.memory_space<hbm>>
        %dma_wait3A_60 = tpu.memref_squeeze %dma_wait3A_59 : memref<1x128xf32, #tpu.memory_space<hbm>> -> memref<128xf32, #tpu.memory_space<hbm>>
        %dma_wait3A_61 = arith.constant 0 : i32
        %dma_wait3A_62 = tpu.memref_slice %arg3[%add3A_52, %dma_wait3A_61] : memref<1280x128xf32, #tpu.memory_space<hbm>> -> memref<1x128xf32, #tpu.memory_space<hbm>>
        %dma_wait3A_63 = tpu.memref_squeeze %dma_wait3A_62 : memref<1x128xf32, #tpu.memory_space<hbm>> -> memref<128xf32, #tpu.memory_space<hbm>>
        tpu.wait_dma2 semaphore(%run_scoped3A : memref<!tpu.dma_semaphore, #tpu.memory_space<semaphore_mem>>) src(%arg6 : memref<128xf32, #tpu.memory_space<vmem>>) dst(%dma_wait3A_63 : memref<128xf32, #tpu.memory_space<hbm>>)
        tpu.yield
      }) : () -> ()
      %scan3A_53 = arith.constant 0 : i32
      scf.yield %scan3A_53 : i32
    }
    %scan3A_10 = arith.constant 40 : i32
    return
  }
}

module attributes {stable_mosaic.version = 14 : i64} {
  func.func @_topk_mask_kernel(%arg0: i32, %arg1: memref<256x4096xf32, #tpu.memory_space<vmem>>, %arg2: memref<256x4096xf32, #tpu.memory_space<vmem>>) attributes {dimension_semantics = [#tpu.dimension_semantics<arbitrary>], iteration_bounds = array<i64: 27>, scalar_prefetch = 0 : i64, scratch_operands = 0 : i64, tpu.core_type = #tpu.core_type<tc>, window_params = [{transform_indices = @transform_0, window_bounds = array<i64: 256, 4096>}, {transform_indices = @transform_1, window_bounds = array<i64: 256, 4096>}]} {
    %get3A = arith.constant 0 : index
    %get3A_0 = arith.constant 0 : index
    %get3A_1 = vector.load %arg1[%get3A, %get3A_0] : memref<256x4096xf32, #tpu.memory_space<vmem>>, vector<256x4096xf32>
    %bitcast_convert_type3A = tpu.bitcast %get3A_1 : vector<256x4096xf32> -> vector<256x4096xi32>
    %shift_right_arithmetic3A = arith.constant 16 : i32
    %shift_right_arithmetic3A_2 = vector.broadcast %shift_right_arithmetic3A : i32 to vector<256x4096xi32>
    %shift_right_arithmetic3A_3 = arith.shrsi %bitcast_convert_type3A, %shift_right_arithmetic3A_2 : vector<256x4096xi32>
    %convert_element_type3A = arith.trunci %shift_right_arithmetic3A_3 : vector<256x4096xi32> to vector<256x4096xi16>
    %lt3A = arith.constant 0 : i16
    %lt3A_4 = vector.broadcast %lt3A : i16 to vector<256x4096xi16>
    %lt3A_5 = arith.cmpi slt, %convert_element_type3A, %lt3A_4 : vector<256x4096xi16>
    %xor3A = arith.constant 32767 : i16
    %xor3A_6 = vector.broadcast %xor3A : i16 to vector<256x4096xi16>
    %xor3A_7 = arith.xori %convert_element_type3A, %xor3A_6 : vector<256x4096xi16>
    %select_n3A = arith.select %lt3A_5, %xor3A_7, %convert_element_type3A : vector<256x4096xi1>, vector<256x4096xi16>
    %and3A = arith.constant 65535 : i32
    %and3A_8 = vector.broadcast %and3A : i32 to vector<256x4096xi32>
    %and3A_9 = arith.andi %bitcast_convert_type3A, %and3A_8 : vector<256x4096xi32>
    %sub3A = arith.constant 32768 : i32
    %sub3A_10 = vector.broadcast %sub3A : i32 to vector<256x4096xi32>
    %sub3A_11 = arith.subi %and3A_9, %sub3A_10 : vector<256x4096xi32>
    %convert_element_type3A_12 = arith.trunci %sub3A_11 : vector<256x4096xi32> to vector<256x4096xi16>
    %xor3A_13 = arith.constant -1 : i16
    %xor3A_14 = vector.broadcast %xor3A_13 : i16 to vector<256x4096xi16>
    %xor3A_15 = arith.xori %convert_element_type3A_12, %xor3A_14 : vector<256x4096xi16>
    %select_n3A_16 = arith.select %lt3A_5, %xor3A_15, %convert_element_type3A_12 : vector<256x4096xi1>, vector<256x4096xi16>
    %broadcast_in_dim3A = arith.constant 0 : i32
    %broadcast_in_dim3A_17 = vector.broadcast %broadcast_in_dim3A : i32 to vector<256x1xi32>
    %or3A = arith.constant 32768 : i32
    %or3A_18 = vector.broadcast %or3A : i32 to vector<256x1xi32>
    %or3A_19 = arith.ori %broadcast_in_dim3A_17, %or3A_18 : vector<256x1xi32>
    %sub3A_20 = arith.constant 32768 : i32
    %sub3A_21 = vector.broadcast %sub3A_20 : i32 to vector<256x1xi32>
    %sub3A_22 = arith.subi %or3A_19, %sub3A_21 : vector<256x1xi32>
    %convert_element_type3A_23 = arith.trunci %sub3A_22 : vector<256x1xi32> to vector<256x1xi16>
    %ge3A = vector.broadcast %convert_element_type3A_23 : vector<256x1xi16> to vector<256x4096xi16>
    %ge3A_24 = arith.cmpi sge, %select_n3A, %ge3A : vector<256x4096xi16>
    %convert_element_type3A_25 = arith.extui %ge3A_24 : vector<256x4096xi1> to vector<256x4096xi16>
    %slice3A = vector.extract_strided_slice %convert_element_type3A_25 {offsets = [0, 0], sizes = [256, 2048], strides = [1, 1]} : vector<256x4096xi16> to vector<256x2048xi16>
    %slice3A_26 = vector.extract_strided_slice %convert_element_type3A_25 {offsets = [0, 2048], sizes = [256, 2048], strides = [1, 1]} : vector<256x4096xi16> to vector<256x2048xi16>
    %add3A = arith.addi %slice3A, %slice3A_26 : vector<256x2048xi16>
    %slice3A_27 = vector.extract_strided_slice %add3A {offsets = [0, 0], sizes = [256, 1024], strides = [1, 1]} : vector<256x2048xi16> to vector<256x1024xi16>
    %slice3A_28 = vector.extract_strided_slice %add3A {offsets = [0, 1024], sizes = [256, 1024], strides = [1, 1]} : vector<256x2048xi16> to vector<256x1024xi16>
    %add3A_29 = arith.addi %slice3A_27, %slice3A_28 : vector<256x1024xi16>
    %slice3A_30 = vector.extract_strided_slice %add3A_29 {offsets = [0, 0], sizes = [256, 512], strides = [1, 1]} : vector<256x1024xi16> to vector<256x512xi16>
    %slice3A_31 = vector.extract_strided_slice %add3A_29 {offsets = [0, 512], sizes = [256, 512], strides = [1, 1]} : vector<256x1024xi16> to vector<256x512xi16>
    %add3A_32 = arith.addi %slice3A_30, %slice3A_31 : vector<256x512xi16>
    %slice3A_33 = vector.extract_strided_slice %add3A_32 {offsets = [0, 0], sizes = [256, 256], strides = [1, 1]} : vector<256x512xi16> to vector<256x256xi16>
    %slice3A_34 = vector.extract_strided_slice %add3A_32 {offsets = [0, 256], sizes = [256, 256], strides = [1, 1]} : vector<256x512xi16> to vector<256x256xi16>
    %add3A_35 = arith.addi %slice3A_33, %slice3A_34 : vector<256x256xi16>
    %slice3A_36 = vector.extract_strided_slice %add3A_35 {offsets = [0, 0], sizes = [256, 128], strides = [1, 1]} : vector<256x256xi16> to vector<256x128xi16>
    %slice3A_37 = vector.extract_strided_slice %add3A_35 {offsets = [0, 128], sizes = [256, 128], strides = [1, 1]} : vector<256x256xi16> to vector<256x128xi16>
    %add3A_38 = arith.addi %slice3A_36, %slice3A_37 : vector<256x128xi16>
    %convert_element_type3A_39 = arith.extsi %add3A_38 : vector<256x128xi16> to vector<256x128xi32>
    %reduce_sum3A = arith.constant dense<0> : vector<256xi32>
    %reduce_sum3A_40 = vector.multi_reduction <add>, %convert_element_type3A_39, %reduce_sum3A [1] : vector<256x128xi32> to vector<256xi32>
    %broadcast_in_dim3A_41 = vector.shape_cast %reduce_sum3A_40 : vector<256xi32> to vector<256x1xi32>
    %ge3A_42 = arith.constant 204 : i32
    %ge3A_43 = vector.broadcast %ge3A_42 : i32 to vector<256x1xi32>
    %ge3A_44 = arith.cmpi sge, %broadcast_in_dim3A_41, %ge3A_43 : vector<256x1xi32>
    %select_n3A_45 = arith.select %ge3A_44, %or3A_19, %broadcast_in_dim3A_17 : vector<256x1xi1>, vector<256x1xi32>
    %or3A_46 = arith.constant 16384 : i32
    %or3A_47 = vector.broadcast %or3A_46 : i32 to vector<256x1xi32>
    %or3A_48 = arith.ori %select_n3A_45, %or3A_47 : vector<256x1xi32>
    %sub3A_49 = arith.constant 32768 : i32
    %sub3A_50 = vector.broadcast %sub3A_49 : i32 to vector<256x1xi32>
    %sub3A_51 = arith.subi %or3A_48, %sub3A_50 : vector<256x1xi32>
    %convert_element_type3A_52 = arith.trunci %sub3A_51 : vector<256x1xi32> to vector<256x1xi16>
    %ge3A_53 = vector.broadcast %convert_element_type3A_52 : vector<256x1xi16> to vector<256x4096xi16>
    %ge3A_54 = arith.cmpi sge, %select_n3A, %ge3A_53 : vector<256x4096xi16>
    %convert_element_type3A_55 = arith.extui %ge3A_54 : vector<256x4096xi1> to vector<256x4096xi16>
    %slice3A_56 = vector.extract_strided_slice %convert_element_type3A_55 {offsets = [0, 0], sizes = [256, 2048], strides = [1, 1]} : vector<256x4096xi16> to vector<256x2048xi16>
    %slice3A_57 = vector.extract_strided_slice %convert_element_type3A_55 {offsets = [0, 2048], sizes = [256, 2048], strides = [1, 1]} : vector<256x4096xi16> to vector<256x2048xi16>
    %add3A_58 = arith.addi %slice3A_56, %slice3A_57 : vector<256x2048xi16>
    %slice3A_59 = vector.extract_strided_slice %add3A_58 {offsets = [0, 0], sizes = [256, 1024], strides = [1, 1]} : vector<256x2048xi16> to vector<256x1024xi16>
    %slice3A_60 = vector.extract_strided_slice %add3A_58 {offsets = [0, 1024], sizes = [256, 1024], strides = [1, 1]} : vector<256x2048xi16> to vector<256x1024xi16>
    %add3A_61 = arith.addi %slice3A_59, %slice3A_60 : vector<256x1024xi16>
    %slice3A_62 = vector.extract_strided_slice %add3A_61 {offsets = [0, 0], sizes = [256, 512], strides = [1, 1]} : vector<256x1024xi16> to vector<256x512xi16>
    %slice3A_63 = vector.extract_strided_slice %add3A_61 {offsets = [0, 512], sizes = [256, 512], strides = [1, 1]} : vector<256x1024xi16> to vector<256x512xi16>
    %add3A_64 = arith.addi %slice3A_62, %slice3A_63 : vector<256x512xi16>
    %slice3A_65 = vector.extract_strided_slice %add3A_64 {offsets = [0, 0], sizes = [256, 256], strides = [1, 1]} : vector<256x512xi16> to vector<256x256xi16>
    %slice3A_66 = vector.extract_strided_slice %add3A_64 {offsets = [0, 256], sizes = [256, 256], strides = [1, 1]} : vector<256x512xi16> to vector<256x256xi16>
    %add3A_67 = arith.addi %slice3A_65, %slice3A_66 : vector<256x256xi16>
    %slice3A_68 = vector.extract_strided_slice %add3A_67 {offsets = [0, 0], sizes = [256, 128], strides = [1, 1]} : vector<256x256xi16> to vector<256x128xi16>
    %slice3A_69 = vector.extract_strided_slice %add3A_67 {offsets = [0, 128], sizes = [256, 128], strides = [1, 1]} : vector<256x256xi16> to vector<256x128xi16>
    %add3A_70 = arith.addi %slice3A_68, %slice3A_69 : vector<256x128xi16>
    %convert_element_type3A_71 = arith.extsi %add3A_70 : vector<256x128xi16> to vector<256x128xi32>
    %reduce_sum3A_72 = arith.constant dense<0> : vector<256xi32>
    %reduce_sum3A_73 = vector.multi_reduction <add>, %convert_element_type3A_71, %reduce_sum3A_72 [1] : vector<256x128xi32> to vector<256xi32>
    %broadcast_in_dim3A_74 = vector.shape_cast %reduce_sum3A_73 : vector<256xi32> to vector<256x1xi32>
    %ge3A_75 = arith.constant 204 : i32
    %ge3A_76 = vector.broadcast %ge3A_75 : i32 to vector<256x1xi32>
    %ge3A_77 = arith.cmpi sge, %broadcast_in_dim3A_74, %ge3A_76 : vector<256x1xi32>
    %select_n3A_78 = arith.select %ge3A_77, %or3A_48, %select_n3A_45 : vector<256x1xi1>, vector<256x1xi32>
    %or3A_79 = arith.constant 8192 : i32
    %or3A_80 = vector.broadcast %or3A_79 : i32 to vector<256x1xi32>
    %or3A_81 = arith.ori %select_n3A_78, %or3A_80 : vector<256x1xi32>
    %sub3A_82 = arith.constant 32768 : i32
    %sub3A_83 = vector.broadcast %sub3A_82 : i32 to vector<256x1xi32>
    %sub3A_84 = arith.subi %or3A_81, %sub3A_83 : vector<256x1xi32>
    %convert_element_type3A_85 = arith.trunci %sub3A_84 : vector<256x1xi32> to vector<256x1xi16>
    %ge3A_86 = vector.broadcast %convert_element_type3A_85 : vector<256x1xi16> to vector<256x4096xi16>
    %ge3A_87 = arith.cmpi sge, %select_n3A, %ge3A_86 : vector<256x4096xi16>
    %convert_element_type3A_88 = arith.extui %ge3A_87 : vector<256x4096xi1> to vector<256x4096xi16>
    %slice3A_89 = vector.extract_strided_slice %convert_element_type3A_88 {offsets = [0, 0], sizes = [256, 2048], strides = [1, 1]} : vector<256x4096xi16> to vector<256x2048xi16>
    %slice3A_90 = vector.extract_strided_slice %convert_element_type3A_88 {offsets = [0, 2048], sizes = [256, 2048], strides = [1, 1]} : vector<256x4096xi16> to vector<256x2048xi16>
    %add3A_91 = arith.addi %slice3A_89, %slice3A_90 : vector<256x2048xi16>
    %slice3A_92 = vector.extract_strided_slice %add3A_91 {offsets = [0, 0], sizes = [256, 1024], strides = [1, 1]} : vector<256x2048xi16> to vector<256x1024xi16>
    %slice3A_93 = vector.extract_strided_slice %add3A_91 {offsets = [0, 1024], sizes = [256, 1024], strides = [1, 1]} : vector<256x2048xi16> to vector<256x1024xi16>
    %add3A_94 = arith.addi %slice3A_92, %slice3A_93 : vector<256x1024xi16>
    %slice3A_95 = vector.extract_strided_slice %add3A_94 {offsets = [0, 0], sizes = [256, 512], strides = [1, 1]} : vector<256x1024xi16> to vector<256x512xi16>
    %slice3A_96 = vector.extract_strided_slice %add3A_94 {offsets = [0, 512], sizes = [256, 512], strides = [1, 1]} : vector<256x1024xi16> to vector<256x512xi16>
    %add3A_97 = arith.addi %slice3A_95, %slice3A_96 : vector<256x512xi16>
    %slice3A_98 = vector.extract_strided_slice %add3A_97 {offsets = [0, 0], sizes = [256, 256], strides = [1, 1]} : vector<256x512xi16> to vector<256x256xi16>
    %slice3A_99 = vector.extract_strided_slice %add3A_97 {offsets = [0, 256], sizes = [256, 256], strides = [1, 1]} : vector<256x512xi16> to vector<256x256xi16>
    %add3A_100 = arith.addi %slice3A_98, %slice3A_99 : vector<256x256xi16>
    %slice3A_101 = vector.extract_strided_slice %add3A_100 {offsets = [0, 0], sizes = [256, 128], strides = [1, 1]} : vector<256x256xi16> to vector<256x128xi16>
    %slice3A_102 = vector.extract_strided_slice %add3A_100 {offsets = [0, 128], sizes = [256, 128], strides = [1, 1]} : vector<256x256xi16> to vector<256x128xi16>
    %add3A_103 = arith.addi %slice3A_101, %slice3A_102 : vector<256x128xi16>
    %convert_element_type3A_104 = arith.extsi %add3A_103 : vector<256x128xi16> to vector<256x128xi32>
    %reduce_sum3A_105 = arith.constant dense<0> : vector<256xi32>
    %reduce_sum3A_106 = vector.multi_reduction <add>, %convert_element_type3A_104, %reduce_sum3A_105 [1] : vector<256x128xi32> to vector<256xi32>
    %broadcast_in_dim3A_107 = vector.shape_cast %reduce_sum3A_106 : vector<256xi32> to vector<256x1xi32>
    %ge3A_108 = arith.constant 204 : i32
    %ge3A_109 = vector.broadcast %ge3A_108 : i32 to vector<256x1xi32>
    %ge3A_110 = arith.cmpi sge, %broadcast_in_dim3A_107, %ge3A_109 : vector<256x1xi32>
    %select_n3A_111 = arith.select %ge3A_110, %or3A_81, %select_n3A_78 : vector<256x1xi1>, vector<256x1xi32>
    %or3A_112 = arith.constant 4096 : i32
    %or3A_113 = vector.broadcast %or3A_112 : i32 to vector<256x1xi32>
    %or3A_114 = arith.ori %select_n3A_111, %or3A_113 : vector<256x1xi32>
    %sub3A_115 = arith.constant 32768 : i32
    %sub3A_116 = vector.broadcast %sub3A_115 : i32 to vector<256x1xi32>
    %sub3A_117 = arith.subi %or3A_114, %sub3A_116 : vector<256x1xi32>
    %convert_element_type3A_118 = arith.trunci %sub3A_117 : vector<256x1xi32> to vector<256x1xi16>
    %ge3A_119 = vector.broadcast %convert_element_type3A_118 : vector<256x1xi16> to vector<256x4096xi16>
    %ge3A_120 = arith.cmpi sge, %select_n3A, %ge3A_119 : vector<256x4096xi16>
    %convert_element_type3A_121 = arith.extui %ge3A_120 : vector<256x4096xi1> to vector<256x4096xi16>
    %slice3A_122 = vector.extract_strided_slice %convert_element_type3A_121 {offsets = [0, 0], sizes = [256, 2048], strides = [1, 1]} : vector<256x4096xi16> to vector<256x2048xi16>
    %slice3A_123 = vector.extract_strided_slice %convert_element_type3A_121 {offsets = [0, 2048], sizes = [256, 2048], strides = [1, 1]} : vector<256x4096xi16> to vector<256x2048xi16>
    %add3A_124 = arith.addi %slice3A_122, %slice3A_123 : vector<256x2048xi16>
    %slice3A_125 = vector.extract_strided_slice %add3A_124 {offsets = [0, 0], sizes = [256, 1024], strides = [1, 1]} : vector<256x2048xi16> to vector<256x1024xi16>
    %slice3A_126 = vector.extract_strided_slice %add3A_124 {offsets = [0, 1024], sizes = [256, 1024], strides = [1, 1]} : vector<256x2048xi16> to vector<256x1024xi16>
    %add3A_127 = arith.addi %slice3A_125, %slice3A_126 : vector<256x1024xi16>
    %slice3A_128 = vector.extract_strided_slice %add3A_127 {offsets = [0, 0], sizes = [256, 512], strides = [1, 1]} : vector<256x1024xi16> to vector<256x512xi16>
    %slice3A_129 = vector.extract_strided_slice %add3A_127 {offsets = [0, 512], sizes = [256, 512], strides = [1, 1]} : vector<256x1024xi16> to vector<256x512xi16>
    %add3A_130 = arith.addi %slice3A_128, %slice3A_129 : vector<256x512xi16>
    %slice3A_131 = vector.extract_strided_slice %add3A_130 {offsets = [0, 0], sizes = [256, 256], strides = [1, 1]} : vector<256x512xi16> to vector<256x256xi16>
    %slice3A_132 = vector.extract_strided_slice %add3A_130 {offsets = [0, 256], sizes = [256, 256], strides = [1, 1]} : vector<256x512xi16> to vector<256x256xi16>
    %add3A_133 = arith.addi %slice3A_131, %slice3A_132 : vector<256x256xi16>
    %slice3A_134 = vector.extract_strided_slice %add3A_133 {offsets = [0, 0], sizes = [256, 128], strides = [1, 1]} : vector<256x256xi16> to vector<256x128xi16>
    %slice3A_135 = vector.extract_strided_slice %add3A_133 {offsets = [0, 128], sizes = [256, 128], strides = [1, 1]} : vector<256x256xi16> to vector<256x128xi16>
    %add3A_136 = arith.addi %slice3A_134, %slice3A_135 : vector<256x128xi16>
    %convert_element_type3A_137 = arith.extsi %add3A_136 : vector<256x128xi16> to vector<256x128xi32>
    %reduce_sum3A_138 = arith.constant dense<0> : vector<256xi32>
    %reduce_sum3A_139 = vector.multi_reduction <add>, %convert_element_type3A_137, %reduce_sum3A_138 [1] : vector<256x128xi32> to vector<256xi32>
    %broadcast_in_dim3A_140 = vector.shape_cast %reduce_sum3A_139 : vector<256xi32> to vector<256x1xi32>
    %ge3A_141 = arith.constant 204 : i32
    %ge3A_142 = vector.broadcast %ge3A_141 : i32 to vector<256x1xi32>
    %ge3A_143 = arith.cmpi sge, %broadcast_in_dim3A_140, %ge3A_142 : vector<256x1xi32>
    %select_n3A_144 = arith.select %ge3A_143, %or3A_114, %select_n3A_111 : vector<256x1xi1>, vector<256x1xi32>
    %or3A_145 = arith.constant 2048 : i32
    %or3A_146 = vector.broadcast %or3A_145 : i32 to vector<256x1xi32>
    %or3A_147 = arith.ori %select_n3A_144, %or3A_146 : vector<256x1xi32>
    %sub3A_148 = arith.constant 32768 : i32
    %sub3A_149 = vector.broadcast %sub3A_148 : i32 to vector<256x1xi32>
    %sub3A_150 = arith.subi %or3A_147, %sub3A_149 : vector<256x1xi32>
    %convert_element_type3A_151 = arith.trunci %sub3A_150 : vector<256x1xi32> to vector<256x1xi16>
    %ge3A_152 = vector.broadcast %convert_element_type3A_151 : vector<256x1xi16> to vector<256x4096xi16>
    %ge3A_153 = arith.cmpi sge, %select_n3A, %ge3A_152 : vector<256x4096xi16>
    %convert_element_type3A_154 = arith.extui %ge3A_153 : vector<256x4096xi1> to vector<256x4096xi16>
    %slice3A_155 = vector.extract_strided_slice %convert_element_type3A_154 {offsets = [0, 0], sizes = [256, 2048], strides = [1, 1]} : vector<256x4096xi16> to vector<256x2048xi16>
    %slice3A_156 = vector.extract_strided_slice %convert_element_type3A_154 {offsets = [0, 2048], sizes = [256, 2048], strides = [1, 1]} : vector<256x4096xi16> to vector<256x2048xi16>
    %add3A_157 = arith.addi %slice3A_155, %slice3A_156 : vector<256x2048xi16>
    %slice3A_158 = vector.extract_strided_slice %add3A_157 {offsets = [0, 0], sizes = [256, 1024], strides = [1, 1]} : vector<256x2048xi16> to vector<256x1024xi16>
    %slice3A_159 = vector.extract_strided_slice %add3A_157 {offsets = [0, 1024], sizes = [256, 1024], strides = [1, 1]} : vector<256x2048xi16> to vector<256x1024xi16>
    %add3A_160 = arith.addi %slice3A_158, %slice3A_159 : vector<256x1024xi16>
    %slice3A_161 = vector.extract_strided_slice %add3A_160 {offsets = [0, 0], sizes = [256, 512], strides = [1, 1]} : vector<256x1024xi16> to vector<256x512xi16>
    %slice3A_162 = vector.extract_strided_slice %add3A_160 {offsets = [0, 512], sizes = [256, 512], strides = [1, 1]} : vector<256x1024xi16> to vector<256x512xi16>
    %add3A_163 = arith.addi %slice3A_161, %slice3A_162 : vector<256x512xi16>
    %slice3A_164 = vector.extract_strided_slice %add3A_163 {offsets = [0, 0], sizes = [256, 256], strides = [1, 1]} : vector<256x512xi16> to vector<256x256xi16>
    %slice3A_165 = vector.extract_strided_slice %add3A_163 {offsets = [0, 256], sizes = [256, 256], strides = [1, 1]} : vector<256x512xi16> to vector<256x256xi16>
    %add3A_166 = arith.addi %slice3A_164, %slice3A_165 : vector<256x256xi16>
    %slice3A_167 = vector.extract_strided_slice %add3A_166 {offsets = [0, 0], sizes = [256, 128], strides = [1, 1]} : vector<256x256xi16> to vector<256x128xi16>
    %slice3A_168 = vector.extract_strided_slice %add3A_166 {offsets = [0, 128], sizes = [256, 128], strides = [1, 1]} : vector<256x256xi16> to vector<256x128xi16>
    %add3A_169 = arith.addi %slice3A_167, %slice3A_168 : vector<256x128xi16>
    %convert_element_type3A_170 = arith.extsi %add3A_169 : vector<256x128xi16> to vector<256x128xi32>
    %reduce_sum3A_171 = arith.constant dense<0> : vector<256xi32>
    %reduce_sum3A_172 = vector.multi_reduction <add>, %convert_element_type3A_170, %reduce_sum3A_171 [1] : vector<256x128xi32> to vector<256xi32>
    %broadcast_in_dim3A_173 = vector.shape_cast %reduce_sum3A_172 : vector<256xi32> to vector<256x1xi32>
    %ge3A_174 = arith.constant 204 : i32
    %ge3A_175 = vector.broadcast %ge3A_174 : i32 to vector<256x1xi32>
    %ge3A_176 = arith.cmpi sge, %broadcast_in_dim3A_173, %ge3A_175 : vector<256x1xi32>
    %select_n3A_177 = arith.select %ge3A_176, %or3A_147, %select_n3A_144 : vector<256x1xi1>, vector<256x1xi32>
    %or3A_178 = arith.constant 1024 : i32
    %or3A_179 = vector.broadcast %or3A_178 : i32 to vector<256x1xi32>
    %or3A_180 = arith.ori %select_n3A_177, %or3A_179 : vector<256x1xi32>
    %sub3A_181 = arith.constant 32768 : i32
    %sub3A_182 = vector.broadcast %sub3A_181 : i32 to vector<256x1xi32>
    %sub3A_183 = arith.subi %or3A_180, %sub3A_182 : vector<256x1xi32>
    %convert_element_type3A_184 = arith.trunci %sub3A_183 : vector<256x1xi32> to vector<256x1xi16>
    %ge3A_185 = vector.broadcast %convert_element_type3A_184 : vector<256x1xi16> to vector<256x4096xi16>
    %ge3A_186 = arith.cmpi sge, %select_n3A, %ge3A_185 : vector<256x4096xi16>
    %convert_element_type3A_187 = arith.extui %ge3A_186 : vector<256x4096xi1> to vector<256x4096xi16>
    %slice3A_188 = vector.extract_strided_slice %convert_element_type3A_187 {offsets = [0, 0], sizes = [256, 2048], strides = [1, 1]} : vector<256x4096xi16> to vector<256x2048xi16>
    %slice3A_189 = vector.extract_strided_slice %convert_element_type3A_187 {offsets = [0, 2048], sizes = [256, 2048], strides = [1, 1]} : vector<256x4096xi16> to vector<256x2048xi16>
    %add3A_190 = arith.addi %slice3A_188, %slice3A_189 : vector<256x2048xi16>
    %slice3A_191 = vector.extract_strided_slice %add3A_190 {offsets = [0, 0], sizes = [256, 1024], strides = [1, 1]} : vector<256x2048xi16> to vector<256x1024xi16>
    %slice3A_192 = vector.extract_strided_slice %add3A_190 {offsets = [0, 1024], sizes = [256, 1024], strides = [1, 1]} : vector<256x2048xi16> to vector<256x1024xi16>
    %add3A_193 = arith.addi %slice3A_191, %slice3A_192 : vector<256x1024xi16>
    %slice3A_194 = vector.extract_strided_slice %add3A_193 {offsets = [0, 0], sizes = [256, 512], strides = [1, 1]} : vector<256x1024xi16> to vector<256x512xi16>
    %slice3A_195 = vector.extract_strided_slice %add3A_193 {offsets = [0, 512], sizes = [256, 512], strides = [1, 1]} : vector<256x1024xi16> to vector<256x512xi16>
    %add3A_196 = arith.addi %slice3A_194, %slice3A_195 : vector<256x512xi16>
    %slice3A_197 = vector.extract_strided_slice %add3A_196 {offsets = [0, 0], sizes = [256, 256], strides = [1, 1]} : vector<256x512xi16> to vector<256x256xi16>
    %slice3A_198 = vector.extract_strided_slice %add3A_196 {offsets = [0, 256], sizes = [256, 256], strides = [1, 1]} : vector<256x512xi16> to vector<256x256xi16>
    %add3A_199 = arith.addi %slice3A_197, %slice3A_198 : vector<256x256xi16>
    %slice3A_200 = vector.extract_strided_slice %add3A_199 {offsets = [0, 0], sizes = [256, 128], strides = [1, 1]} : vector<256x256xi16> to vector<256x128xi16>
    %slice3A_201 = vector.extract_strided_slice %add3A_199 {offsets = [0, 128], sizes = [256, 128], strides = [1, 1]} : vector<256x256xi16> to vector<256x128xi16>
    %add3A_202 = arith.addi %slice3A_200, %slice3A_201 : vector<256x128xi16>
    %convert_element_type3A_203 = arith.extsi %add3A_202 : vector<256x128xi16> to vector<256x128xi32>
    %reduce_sum3A_204 = arith.constant dense<0> : vector<256xi32>
    %reduce_sum3A_205 = vector.multi_reduction <add>, %convert_element_type3A_203, %reduce_sum3A_204 [1] : vector<256x128xi32> to vector<256xi32>
    %broadcast_in_dim3A_206 = vector.shape_cast %reduce_sum3A_205 : vector<256xi32> to vector<256x1xi32>
    %ge3A_207 = arith.constant 204 : i32
    %ge3A_208 = vector.broadcast %ge3A_207 : i32 to vector<256x1xi32>
    %ge3A_209 = arith.cmpi sge, %broadcast_in_dim3A_206, %ge3A_208 : vector<256x1xi32>
    %select_n3A_210 = arith.select %ge3A_209, %or3A_180, %select_n3A_177 : vector<256x1xi1>, vector<256x1xi32>
    %or3A_211 = arith.constant 512 : i32
    %or3A_212 = vector.broadcast %or3A_211 : i32 to vector<256x1xi32>
    %or3A_213 = arith.ori %select_n3A_210, %or3A_212 : vector<256x1xi32>
    %sub3A_214 = arith.constant 32768 : i32
    %sub3A_215 = vector.broadcast %sub3A_214 : i32 to vector<256x1xi32>
    %sub3A_216 = arith.subi %or3A_213, %sub3A_215 : vector<256x1xi32>
    %convert_element_type3A_217 = arith.trunci %sub3A_216 : vector<256x1xi32> to vector<256x1xi16>
    %ge3A_218 = vector.broadcast %convert_element_type3A_217 : vector<256x1xi16> to vector<256x4096xi16>
    %ge3A_219 = arith.cmpi sge, %select_n3A, %ge3A_218 : vector<256x4096xi16>
    %convert_element_type3A_220 = arith.extui %ge3A_219 : vector<256x4096xi1> to vector<256x4096xi16>
    %slice3A_221 = vector.extract_strided_slice %convert_element_type3A_220 {offsets = [0, 0], sizes = [256, 2048], strides = [1, 1]} : vector<256x4096xi16> to vector<256x2048xi16>
    %slice3A_222 = vector.extract_strided_slice %convert_element_type3A_220 {offsets = [0, 2048], sizes = [256, 2048], strides = [1, 1]} : vector<256x4096xi16> to vector<256x2048xi16>
    %add3A_223 = arith.addi %slice3A_221, %slice3A_222 : vector<256x2048xi16>
    %slice3A_224 = vector.extract_strided_slice %add3A_223 {offsets = [0, 0], sizes = [256, 1024], strides = [1, 1]} : vector<256x2048xi16> to vector<256x1024xi16>
    %slice3A_225 = vector.extract_strided_slice %add3A_223 {offsets = [0, 1024], sizes = [256, 1024], strides = [1, 1]} : vector<256x2048xi16> to vector<256x1024xi16>
    %add3A_226 = arith.addi %slice3A_224, %slice3A_225 : vector<256x1024xi16>
    %slice3A_227 = vector.extract_strided_slice %add3A_226 {offsets = [0, 0], sizes = [256, 512], strides = [1, 1]} : vector<256x1024xi16> to vector<256x512xi16>
    %slice3A_228 = vector.extract_strided_slice %add3A_226 {offsets = [0, 512], sizes = [256, 512], strides = [1, 1]} : vector<256x1024xi16> to vector<256x512xi16>
    %add3A_229 = arith.addi %slice3A_227, %slice3A_228 : vector<256x512xi16>
    %slice3A_230 = vector.extract_strided_slice %add3A_229 {offsets = [0, 0], sizes = [256, 256], strides = [1, 1]} : vector<256x512xi16> to vector<256x256xi16>
    %slice3A_231 = vector.extract_strided_slice %add3A_229 {offsets = [0, 256], sizes = [256, 256], strides = [1, 1]} : vector<256x512xi16> to vector<256x256xi16>
    %add3A_232 = arith.addi %slice3A_230, %slice3A_231 : vector<256x256xi16>
    %slice3A_233 = vector.extract_strided_slice %add3A_232 {offsets = [0, 0], sizes = [256, 128], strides = [1, 1]} : vector<256x256xi16> to vector<256x128xi16>
    %slice3A_234 = vector.extract_strided_slice %add3A_232 {offsets = [0, 128], sizes = [256, 128], strides = [1, 1]} : vector<256x256xi16> to vector<256x128xi16>
    %add3A_235 = arith.addi %slice3A_233, %slice3A_234 : vector<256x128xi16>
    %convert_element_type3A_236 = arith.extsi %add3A_235 : vector<256x128xi16> to vector<256x128xi32>
    %reduce_sum3A_237 = arith.constant dense<0> : vector<256xi32>
    %reduce_sum3A_238 = vector.multi_reduction <add>, %convert_element_type3A_236, %reduce_sum3A_237 [1] : vector<256x128xi32> to vector<256xi32>
    %broadcast_in_dim3A_239 = vector.shape_cast %reduce_sum3A_238 : vector<256xi32> to vector<256x1xi32>
    %ge3A_240 = arith.constant 204 : i32
    %ge3A_241 = vector.broadcast %ge3A_240 : i32 to vector<256x1xi32>
    %ge3A_242 = arith.cmpi sge, %broadcast_in_dim3A_239, %ge3A_241 : vector<256x1xi32>
    %select_n3A_243 = arith.select %ge3A_242, %or3A_213, %select_n3A_210 : vector<256x1xi1>, vector<256x1xi32>
    %or3A_244 = arith.constant 256 : i32
    %or3A_245 = vector.broadcast %or3A_244 : i32 to vector<256x1xi32>
    %or3A_246 = arith.ori %select_n3A_243, %or3A_245 : vector<256x1xi32>
    %sub3A_247 = arith.constant 32768 : i32
    %sub3A_248 = vector.broadcast %sub3A_247 : i32 to vector<256x1xi32>
    %sub3A_249 = arith.subi %or3A_246, %sub3A_248 : vector<256x1xi32>
    %convert_element_type3A_250 = arith.trunci %sub3A_249 : vector<256x1xi32> to vector<256x1xi16>
    %ge3A_251 = vector.broadcast %convert_element_type3A_250 : vector<256x1xi16> to vector<256x4096xi16>
    %ge3A_252 = arith.cmpi sge, %select_n3A, %ge3A_251 : vector<256x4096xi16>
    %convert_element_type3A_253 = arith.extui %ge3A_252 : vector<256x4096xi1> to vector<256x4096xi16>
    %slice3A_254 = vector.extract_strided_slice %convert_element_type3A_253 {offsets = [0, 0], sizes = [256, 2048], strides = [1, 1]} : vector<256x4096xi16> to vector<256x2048xi16>
    %slice3A_255 = vector.extract_strided_slice %convert_element_type3A_253 {offsets = [0, 2048], sizes = [256, 2048], strides = [1, 1]} : vector<256x4096xi16> to vector<256x2048xi16>
    %add3A_256 = arith.addi %slice3A_254, %slice3A_255 : vector<256x2048xi16>
    %slice3A_257 = vector.extract_strided_slice %add3A_256 {offsets = [0, 0], sizes = [256, 1024], strides = [1, 1]} : vector<256x2048xi16> to vector<256x1024xi16>
    %slice3A_258 = vector.extract_strided_slice %add3A_256 {offsets = [0, 1024], sizes = [256, 1024], strides = [1, 1]} : vector<256x2048xi16> to vector<256x1024xi16>
    %add3A_259 = arith.addi %slice3A_257, %slice3A_258 : vector<256x1024xi16>
    %slice3A_260 = vector.extract_strided_slice %add3A_259 {offsets = [0, 0], sizes = [256, 512], strides = [1, 1]} : vector<256x1024xi16> to vector<256x512xi16>
    %slice3A_261 = vector.extract_strided_slice %add3A_259 {offsets = [0, 512], sizes = [256, 512], strides = [1, 1]} : vector<256x1024xi16> to vector<256x512xi16>
    %add3A_262 = arith.addi %slice3A_260, %slice3A_261 : vector<256x512xi16>
    %slice3A_263 = vector.extract_strided_slice %add3A_262 {offsets = [0, 0], sizes = [256, 256], strides = [1, 1]} : vector<256x512xi16> to vector<256x256xi16>
    %slice3A_264 = vector.extract_strided_slice %add3A_262 {offsets = [0, 256], sizes = [256, 256], strides = [1, 1]} : vector<256x512xi16> to vector<256x256xi16>
    %add3A_265 = arith.addi %slice3A_263, %slice3A_264 : vector<256x256xi16>
    %slice3A_266 = vector.extract_strided_slice %add3A_265 {offsets = [0, 0], sizes = [256, 128], strides = [1, 1]} : vector<256x256xi16> to vector<256x128xi16>
    %slice3A_267 = vector.extract_strided_slice %add3A_265 {offsets = [0, 128], sizes = [256, 128], strides = [1, 1]} : vector<256x256xi16> to vector<256x128xi16>
    %add3A_268 = arith.addi %slice3A_266, %slice3A_267 : vector<256x128xi16>
    %convert_element_type3A_269 = arith.extsi %add3A_268 : vector<256x128xi16> to vector<256x128xi32>
    %reduce_sum3A_270 = arith.constant dense<0> : vector<256xi32>
    %reduce_sum3A_271 = vector.multi_reduction <add>, %convert_element_type3A_269, %reduce_sum3A_270 [1] : vector<256x128xi32> to vector<256xi32>
    %broadcast_in_dim3A_272 = vector.shape_cast %reduce_sum3A_271 : vector<256xi32> to vector<256x1xi32>
    %ge3A_273 = arith.constant 204 : i32
    %ge3A_274 = vector.broadcast %ge3A_273 : i32 to vector<256x1xi32>
    %ge3A_275 = arith.cmpi sge, %broadcast_in_dim3A_272, %ge3A_274 : vector<256x1xi32>
    %select_n3A_276 = arith.select %ge3A_275, %or3A_246, %select_n3A_243 : vector<256x1xi1>, vector<256x1xi32>
    %or3A_277 = arith.constant 128 : i32
    %or3A_278 = vector.broadcast %or3A_277 : i32 to vector<256x1xi32>
    %or3A_279 = arith.ori %select_n3A_276, %or3A_278 : vector<256x1xi32>
    %sub3A_280 = arith.constant 32768 : i32
    %sub3A_281 = vector.broadcast %sub3A_280 : i32 to vector<256x1xi32>
    %sub3A_282 = arith.subi %or3A_279, %sub3A_281 : vector<256x1xi32>
    %convert_element_type3A_283 = arith.trunci %sub3A_282 : vector<256x1xi32> to vector<256x1xi16>
    %ge3A_284 = vector.broadcast %convert_element_type3A_283 : vector<256x1xi16> to vector<256x4096xi16>
    %ge3A_285 = arith.cmpi sge, %select_n3A, %ge3A_284 : vector<256x4096xi16>
    %convert_element_type3A_286 = arith.extui %ge3A_285 : vector<256x4096xi1> to vector<256x4096xi16>
    %slice3A_287 = vector.extract_strided_slice %convert_element_type3A_286 {offsets = [0, 0], sizes = [256, 2048], strides = [1, 1]} : vector<256x4096xi16> to vector<256x2048xi16>
    %slice3A_288 = vector.extract_strided_slice %convert_element_type3A_286 {offsets = [0, 2048], sizes = [256, 2048], strides = [1, 1]} : vector<256x4096xi16> to vector<256x2048xi16>
    %add3A_289 = arith.addi %slice3A_287, %slice3A_288 : vector<256x2048xi16>
    %slice3A_290 = vector.extract_strided_slice %add3A_289 {offsets = [0, 0], sizes = [256, 1024], strides = [1, 1]} : vector<256x2048xi16> to vector<256x1024xi16>
    %slice3A_291 = vector.extract_strided_slice %add3A_289 {offsets = [0, 1024], sizes = [256, 1024], strides = [1, 1]} : vector<256x2048xi16> to vector<256x1024xi16>
    %add3A_292 = arith.addi %slice3A_290, %slice3A_291 : vector<256x1024xi16>
    %slice3A_293 = vector.extract_strided_slice %add3A_292 {offsets = [0, 0], sizes = [256, 512], strides = [1, 1]} : vector<256x1024xi16> to vector<256x512xi16>
    %slice3A_294 = vector.extract_strided_slice %add3A_292 {offsets = [0, 512], sizes = [256, 512], strides = [1, 1]} : vector<256x1024xi16> to vector<256x512xi16>
    %add3A_295 = arith.addi %slice3A_293, %slice3A_294 : vector<256x512xi16>
    %slice3A_296 = vector.extract_strided_slice %add3A_295 {offsets = [0, 0], sizes = [256, 256], strides = [1, 1]} : vector<256x512xi16> to vector<256x256xi16>
    %slice3A_297 = vector.extract_strided_slice %add3A_295 {offsets = [0, 256], sizes = [256, 256], strides = [1, 1]} : vector<256x512xi16> to vector<256x256xi16>
    %add3A_298 = arith.addi %slice3A_296, %slice3A_297 : vector<256x256xi16>
    %slice3A_299 = vector.extract_strided_slice %add3A_298 {offsets = [0, 0], sizes = [256, 128], strides = [1, 1]} : vector<256x256xi16> to vector<256x128xi16>
    %slice3A_300 = vector.extract_strided_slice %add3A_298 {offsets = [0, 128], sizes = [256, 128], strides = [1, 1]} : vector<256x256xi16> to vector<256x128xi16>
    %add3A_301 = arith.addi %slice3A_299, %slice3A_300 : vector<256x128xi16>
    %convert_element_type3A_302 = arith.extsi %add3A_301 : vector<256x128xi16> to vector<256x128xi32>
    %reduce_sum3A_303 = arith.constant dense<0> : vector<256xi32>
    %reduce_sum3A_304 = vector.multi_reduction <add>, %convert_element_type3A_302, %reduce_sum3A_303 [1] : vector<256x128xi32> to vector<256xi32>
    %broadcast_in_dim3A_305 = vector.shape_cast %reduce_sum3A_304 : vector<256xi32> to vector<256x1xi32>
    %ge3A_306 = arith.constant 204 : i32
    %ge3A_307 = vector.broadcast %ge3A_306 : i32 to vector<256x1xi32>
    %ge3A_308 = arith.cmpi sge, %broadcast_in_dim3A_305, %ge3A_307 : vector<256x1xi32>
    %select_n3A_309 = arith.select %ge3A_308, %or3A_279, %select_n3A_276 : vector<256x1xi1>, vector<256x1xi32>
    %or3A_310 = arith.constant 64 : i32
    %or3A_311 = vector.broadcast %or3A_310 : i32 to vector<256x1xi32>
    %or3A_312 = arith.ori %select_n3A_309, %or3A_311 : vector<256x1xi32>
    %sub3A_313 = arith.constant 32768 : i32
    %sub3A_314 = vector.broadcast %sub3A_313 : i32 to vector<256x1xi32>
    %sub3A_315 = arith.subi %or3A_312, %sub3A_314 : vector<256x1xi32>
    %convert_element_type3A_316 = arith.trunci %sub3A_315 : vector<256x1xi32> to vector<256x1xi16>
    %ge3A_317 = vector.broadcast %convert_element_type3A_316 : vector<256x1xi16> to vector<256x4096xi16>
    %ge3A_318 = arith.cmpi sge, %select_n3A, %ge3A_317 : vector<256x4096xi16>
    %convert_element_type3A_319 = arith.extui %ge3A_318 : vector<256x4096xi1> to vector<256x4096xi16>
    %slice3A_320 = vector.extract_strided_slice %convert_element_type3A_319 {offsets = [0, 0], sizes = [256, 2048], strides = [1, 1]} : vector<256x4096xi16> to vector<256x2048xi16>
    %slice3A_321 = vector.extract_strided_slice %convert_element_type3A_319 {offsets = [0, 2048], sizes = [256, 2048], strides = [1, 1]} : vector<256x4096xi16> to vector<256x2048xi16>
    %add3A_322 = arith.addi %slice3A_320, %slice3A_321 : vector<256x2048xi16>
    %slice3A_323 = vector.extract_strided_slice %add3A_322 {offsets = [0, 0], sizes = [256, 1024], strides = [1, 1]} : vector<256x2048xi16> to vector<256x1024xi16>
    %slice3A_324 = vector.extract_strided_slice %add3A_322 {offsets = [0, 1024], sizes = [256, 1024], strides = [1, 1]} : vector<256x2048xi16> to vector<256x1024xi16>
    %add3A_325 = arith.addi %slice3A_323, %slice3A_324 : vector<256x1024xi16>
    %slice3A_326 = vector.extract_strided_slice %add3A_325 {offsets = [0, 0], sizes = [256, 512], strides = [1, 1]} : vector<256x1024xi16> to vector<256x512xi16>
    %slice3A_327 = vector.extract_strided_slice %add3A_325 {offsets = [0, 512], sizes = [256, 512], strides = [1, 1]} : vector<256x1024xi16> to vector<256x512xi16>
    %add3A_328 = arith.addi %slice3A_326, %slice3A_327 : vector<256x512xi16>
    %slice3A_329 = vector.extract_strided_slice %add3A_328 {offsets = [0, 0], sizes = [256, 256], strides = [1, 1]} : vector<256x512xi16> to vector<256x256xi16>
    %slice3A_330 = vector.extract_strided_slice %add3A_328 {offsets = [0, 256], sizes = [256, 256], strides = [1, 1]} : vector<256x512xi16> to vector<256x256xi16>
    %add3A_331 = arith.addi %slice3A_329, %slice3A_330 : vector<256x256xi16>
    %slice3A_332 = vector.extract_strided_slice %add3A_331 {offsets = [0, 0], sizes = [256, 128], strides = [1, 1]} : vector<256x256xi16> to vector<256x128xi16>
    %slice3A_333 = vector.extract_strided_slice %add3A_331 {offsets = [0, 128], sizes = [256, 128], strides = [1, 1]} : vector<256x256xi16> to vector<256x128xi16>
    %add3A_334 = arith.addi %slice3A_332, %slice3A_333 : vector<256x128xi16>
    %convert_element_type3A_335 = arith.extsi %add3A_334 : vector<256x128xi16> to vector<256x128xi32>
    %reduce_sum3A_336 = arith.constant dense<0> : vector<256xi32>
    %reduce_sum3A_337 = vector.multi_reduction <add>, %convert_element_type3A_335, %reduce_sum3A_336 [1] : vector<256x128xi32> to vector<256xi32>
    %broadcast_in_dim3A_338 = vector.shape_cast %reduce_sum3A_337 : vector<256xi32> to vector<256x1xi32>
    %ge3A_339 = arith.constant 204 : i32
    %ge3A_340 = vector.broadcast %ge3A_339 : i32 to vector<256x1xi32>
    %ge3A_341 = arith.cmpi sge, %broadcast_in_dim3A_338, %ge3A_340 : vector<256x1xi32>
    %select_n3A_342 = arith.select %ge3A_341, %or3A_312, %select_n3A_309 : vector<256x1xi1>, vector<256x1xi32>
    %or3A_343 = arith.constant 32 : i32
    %or3A_344 = vector.broadcast %or3A_343 : i32 to vector<256x1xi32>
    %or3A_345 = arith.ori %select_n3A_342, %or3A_344 : vector<256x1xi32>
    %sub3A_346 = arith.constant 32768 : i32
    %sub3A_347 = vector.broadcast %sub3A_346 : i32 to vector<256x1xi32>
    %sub3A_348 = arith.subi %or3A_345, %sub3A_347 : vector<256x1xi32>
    %convert_element_type3A_349 = arith.trunci %sub3A_348 : vector<256x1xi32> to vector<256x1xi16>
    %ge3A_350 = vector.broadcast %convert_element_type3A_349 : vector<256x1xi16> to vector<256x4096xi16>
    %ge3A_351 = arith.cmpi sge, %select_n3A, %ge3A_350 : vector<256x4096xi16>
    %convert_element_type3A_352 = arith.extui %ge3A_351 : vector<256x4096xi1> to vector<256x4096xi16>
    %slice3A_353 = vector.extract_strided_slice %convert_element_type3A_352 {offsets = [0, 0], sizes = [256, 2048], strides = [1, 1]} : vector<256x4096xi16> to vector<256x2048xi16>
    %slice3A_354 = vector.extract_strided_slice %convert_element_type3A_352 {offsets = [0, 2048], sizes = [256, 2048], strides = [1, 1]} : vector<256x4096xi16> to vector<256x2048xi16>
    %add3A_355 = arith.addi %slice3A_353, %slice3A_354 : vector<256x2048xi16>
    %slice3A_356 = vector.extract_strided_slice %add3A_355 {offsets = [0, 0], sizes = [256, 1024], strides = [1, 1]} : vector<256x2048xi16> to vector<256x1024xi16>
    %slice3A_357 = vector.extract_strided_slice %add3A_355 {offsets = [0, 1024], sizes = [256, 1024], strides = [1, 1]} : vector<256x2048xi16> to vector<256x1024xi16>
    %add3A_358 = arith.addi %slice3A_356, %slice3A_357 : vector<256x1024xi16>
    %slice3A_359 = vector.extract_strided_slice %add3A_358 {offsets = [0, 0], sizes = [256, 512], strides = [1, 1]} : vector<256x1024xi16> to vector<256x512xi16>
    %slice3A_360 = vector.extract_strided_slice %add3A_358 {offsets = [0, 512], sizes = [256, 512], strides = [1, 1]} : vector<256x1024xi16> to vector<256x512xi16>
    %add3A_361 = arith.addi %slice3A_359, %slice3A_360 : vector<256x512xi16>
    %slice3A_362 = vector.extract_strided_slice %add3A_361 {offsets = [0, 0], sizes = [256, 256], strides = [1, 1]} : vector<256x512xi16> to vector<256x256xi16>
    %slice3A_363 = vector.extract_strided_slice %add3A_361 {offsets = [0, 256], sizes = [256, 256], strides = [1, 1]} : vector<256x512xi16> to vector<256x256xi16>
    %add3A_364 = arith.addi %slice3A_362, %slice3A_363 : vector<256x256xi16>
    %slice3A_365 = vector.extract_strided_slice %add3A_364 {offsets = [0, 0], sizes = [256, 128], strides = [1, 1]} : vector<256x256xi16> to vector<256x128xi16>
    %slice3A_366 = vector.extract_strided_slice %add3A_364 {offsets = [0, 128], sizes = [256, 128], strides = [1, 1]} : vector<256x256xi16> to vector<256x128xi16>
    %add3A_367 = arith.addi %slice3A_365, %slice3A_366 : vector<256x128xi16>
    %convert_element_type3A_368 = arith.extsi %add3A_367 : vector<256x128xi16> to vector<256x128xi32>
    %reduce_sum3A_369 = arith.constant dense<0> : vector<256xi32>
    %reduce_sum3A_370 = vector.multi_reduction <add>, %convert_element_type3A_368, %reduce_sum3A_369 [1] : vector<256x128xi32> to vector<256xi32>
    %broadcast_in_dim3A_371 = vector.shape_cast %reduce_sum3A_370 : vector<256xi32> to vector<256x1xi32>
    %ge3A_372 = arith.constant 204 : i32
    %ge3A_373 = vector.broadcast %ge3A_372 : i32 to vector<256x1xi32>
    %ge3A_374 = arith.cmpi sge, %broadcast_in_dim3A_371, %ge3A_373 : vector<256x1xi32>
    %select_n3A_375 = arith.select %ge3A_374, %or3A_345, %select_n3A_342 : vector<256x1xi1>, vector<256x1xi32>
    %or3A_376 = arith.constant 16 : i32
    %or3A_377 = vector.broadcast %or3A_376 : i32 to vector<256x1xi32>
    %or3A_378 = arith.ori %select_n3A_375, %or3A_377 : vector<256x1xi32>
    %sub3A_379 = arith.constant 32768 : i32
    %sub3A_380 = vector.broadcast %sub3A_379 : i32 to vector<256x1xi32>
    %sub3A_381 = arith.subi %or3A_378, %sub3A_380 : vector<256x1xi32>
    %convert_element_type3A_382 = arith.trunci %sub3A_381 : vector<256x1xi32> to vector<256x1xi16>
    %ge3A_383 = vector.broadcast %convert_element_type3A_382 : vector<256x1xi16> to vector<256x4096xi16>
    %ge3A_384 = arith.cmpi sge, %select_n3A, %ge3A_383 : vector<256x4096xi16>
    %convert_element_type3A_385 = arith.extui %ge3A_384 : vector<256x4096xi1> to vector<256x4096xi16>
    %slice3A_386 = vector.extract_strided_slice %convert_element_type3A_385 {offsets = [0, 0], sizes = [256, 2048], strides = [1, 1]} : vector<256x4096xi16> to vector<256x2048xi16>
    %slice3A_387 = vector.extract_strided_slice %convert_element_type3A_385 {offsets = [0, 2048], sizes = [256, 2048], strides = [1, 1]} : vector<256x4096xi16> to vector<256x2048xi16>
    %add3A_388 = arith.addi %slice3A_386, %slice3A_387 : vector<256x2048xi16>
    %slice3A_389 = vector.extract_strided_slice %add3A_388 {offsets = [0, 0], sizes = [256, 1024], strides = [1, 1]} : vector<256x2048xi16> to vector<256x1024xi16>
    %slice3A_390 = vector.extract_strided_slice %add3A_388 {offsets = [0, 1024], sizes = [256, 1024], strides = [1, 1]} : vector<256x2048xi16> to vector<256x1024xi16>
    %add3A_391 = arith.addi %slice3A_389, %slice3A_390 : vector<256x1024xi16>
    %slice3A_392 = vector.extract_strided_slice %add3A_391 {offsets = [0, 0], sizes = [256, 512], strides = [1, 1]} : vector<256x1024xi16> to vector<256x512xi16>
    %slice3A_393 = vector.extract_strided_slice %add3A_391 {offsets = [0, 512], sizes = [256, 512], strides = [1, 1]} : vector<256x1024xi16> to vector<256x512xi16>
    %add3A_394 = arith.addi %slice3A_392, %slice3A_393 : vector<256x512xi16>
    %slice3A_395 = vector.extract_strided_slice %add3A_394 {offsets = [0, 0], sizes = [256, 256], strides = [1, 1]} : vector<256x512xi16> to vector<256x256xi16>
    %slice3A_396 = vector.extract_strided_slice %add3A_394 {offsets = [0, 256], sizes = [256, 256], strides = [1, 1]} : vector<256x512xi16> to vector<256x256xi16>
    %add3A_397 = arith.addi %slice3A_395, %slice3A_396 : vector<256x256xi16>
    %slice3A_398 = vector.extract_strided_slice %add3A_397 {offsets = [0, 0], sizes = [256, 128], strides = [1, 1]} : vector<256x256xi16> to vector<256x128xi16>
    %slice3A_399 = vector.extract_strided_slice %add3A_397 {offsets = [0, 128], sizes = [256, 128], strides = [1, 1]} : vector<256x256xi16> to vector<256x128xi16>
    %add3A_400 = arith.addi %slice3A_398, %slice3A_399 : vector<256x128xi16>
    %convert_element_type3A_401 = arith.extsi %add3A_400 : vector<256x128xi16> to vector<256x128xi32>
    %reduce_sum3A_402 = arith.constant dense<0> : vector<256xi32>
    %reduce_sum3A_403 = vector.multi_reduction <add>, %convert_element_type3A_401, %reduce_sum3A_402 [1] : vector<256x128xi32> to vector<256xi32>
    %broadcast_in_dim3A_404 = vector.shape_cast %reduce_sum3A_403 : vector<256xi32> to vector<256x1xi32>
    %ge3A_405 = arith.constant 204 : i32
    %ge3A_406 = vector.broadcast %ge3A_405 : i32 to vector<256x1xi32>
    %ge3A_407 = arith.cmpi sge, %broadcast_in_dim3A_404, %ge3A_406 : vector<256x1xi32>
    %select_n3A_408 = arith.select %ge3A_407, %or3A_378, %select_n3A_375 : vector<256x1xi1>, vector<256x1xi32>
    %or3A_409 = arith.constant 8 : i32
    %or3A_410 = vector.broadcast %or3A_409 : i32 to vector<256x1xi32>
    %or3A_411 = arith.ori %select_n3A_408, %or3A_410 : vector<256x1xi32>
    %sub3A_412 = arith.constant 32768 : i32
    %sub3A_413 = vector.broadcast %sub3A_412 : i32 to vector<256x1xi32>
    %sub3A_414 = arith.subi %or3A_411, %sub3A_413 : vector<256x1xi32>
    %convert_element_type3A_415 = arith.trunci %sub3A_414 : vector<256x1xi32> to vector<256x1xi16>
    %ge3A_416 = vector.broadcast %convert_element_type3A_415 : vector<256x1xi16> to vector<256x4096xi16>
    %ge3A_417 = arith.cmpi sge, %select_n3A, %ge3A_416 : vector<256x4096xi16>
    %convert_element_type3A_418 = arith.extui %ge3A_417 : vector<256x4096xi1> to vector<256x4096xi16>
    %slice3A_419 = vector.extract_strided_slice %convert_element_type3A_418 {offsets = [0, 0], sizes = [256, 2048], strides = [1, 1]} : vector<256x4096xi16> to vector<256x2048xi16>
    %slice3A_420 = vector.extract_strided_slice %convert_element_type3A_418 {offsets = [0, 2048], sizes = [256, 2048], strides = [1, 1]} : vector<256x4096xi16> to vector<256x2048xi16>
    %add3A_421 = arith.addi %slice3A_419, %slice3A_420 : vector<256x2048xi16>
    %slice3A_422 = vector.extract_strided_slice %add3A_421 {offsets = [0, 0], sizes = [256, 1024], strides = [1, 1]} : vector<256x2048xi16> to vector<256x1024xi16>
    %slice3A_423 = vector.extract_strided_slice %add3A_421 {offsets = [0, 1024], sizes = [256, 1024], strides = [1, 1]} : vector<256x2048xi16> to vector<256x1024xi16>
    %add3A_424 = arith.addi %slice3A_422, %slice3A_423 : vector<256x1024xi16>
    %slice3A_425 = vector.extract_strided_slice %add3A_424 {offsets = [0, 0], sizes = [256, 512], strides = [1, 1]} : vector<256x1024xi16> to vector<256x512xi16>
    %slice3A_426 = vector.extract_strided_slice %add3A_424 {offsets = [0, 512], sizes = [256, 512], strides = [1, 1]} : vector<256x1024xi16> to vector<256x512xi16>
    %add3A_427 = arith.addi %slice3A_425, %slice3A_426 : vector<256x512xi16>
    %slice3A_428 = vector.extract_strided_slice %add3A_427 {offsets = [0, 0], sizes = [256, 256], strides = [1, 1]} : vector<256x512xi16> to vector<256x256xi16>
    %slice3A_429 = vector.extract_strided_slice %add3A_427 {offsets = [0, 256], sizes = [256, 256], strides = [1, 1]} : vector<256x512xi16> to vector<256x256xi16>
    %add3A_430 = arith.addi %slice3A_428, %slice3A_429 : vector<256x256xi16>
    %slice3A_431 = vector.extract_strided_slice %add3A_430 {offsets = [0, 0], sizes = [256, 128], strides = [1, 1]} : vector<256x256xi16> to vector<256x128xi16>
    %slice3A_432 = vector.extract_strided_slice %add3A_430 {offsets = [0, 128], sizes = [256, 128], strides = [1, 1]} : vector<256x256xi16> to vector<256x128xi16>
    %add3A_433 = arith.addi %slice3A_431, %slice3A_432 : vector<256x128xi16>
    %convert_element_type3A_434 = arith.extsi %add3A_433 : vector<256x128xi16> to vector<256x128xi32>
    %reduce_sum3A_435 = arith.constant dense<0> : vector<256xi32>
    %reduce_sum3A_436 = vector.multi_reduction <add>, %convert_element_type3A_434, %reduce_sum3A_435 [1] : vector<256x128xi32> to vector<256xi32>
    %broadcast_in_dim3A_437 = vector.shape_cast %reduce_sum3A_436 : vector<256xi32> to vector<256x1xi32>
    %ge3A_438 = arith.constant 204 : i32
    %ge3A_439 = vector.broadcast %ge3A_438 : i32 to vector<256x1xi32>
    %ge3A_440 = arith.cmpi sge, %broadcast_in_dim3A_437, %ge3A_439 : vector<256x1xi32>
    %select_n3A_441 = arith.select %ge3A_440, %or3A_411, %select_n3A_408 : vector<256x1xi1>, vector<256x1xi32>
    %or3A_442 = arith.constant 4 : i32
    %or3A_443 = vector.broadcast %or3A_442 : i32 to vector<256x1xi32>
    %or3A_444 = arith.ori %select_n3A_441, %or3A_443 : vector<256x1xi32>
    %sub3A_445 = arith.constant 32768 : i32
    %sub3A_446 = vector.broadcast %sub3A_445 : i32 to vector<256x1xi32>
    %sub3A_447 = arith.subi %or3A_444, %sub3A_446 : vector<256x1xi32>
    %convert_element_type3A_448 = arith.trunci %sub3A_447 : vector<256x1xi32> to vector<256x1xi16>
    %ge3A_449 = vector.broadcast %convert_element_type3A_448 : vector<256x1xi16> to vector<256x4096xi16>
    %ge3A_450 = arith.cmpi sge, %select_n3A, %ge3A_449 : vector<256x4096xi16>
    %convert_element_type3A_451 = arith.extui %ge3A_450 : vector<256x4096xi1> to vector<256x4096xi16>
    %slice3A_452 = vector.extract_strided_slice %convert_element_type3A_451 {offsets = [0, 0], sizes = [256, 2048], strides = [1, 1]} : vector<256x4096xi16> to vector<256x2048xi16>
    %slice3A_453 = vector.extract_strided_slice %convert_element_type3A_451 {offsets = [0, 2048], sizes = [256, 2048], strides = [1, 1]} : vector<256x4096xi16> to vector<256x2048xi16>
    %add3A_454 = arith.addi %slice3A_452, %slice3A_453 : vector<256x2048xi16>
    %slice3A_455 = vector.extract_strided_slice %add3A_454 {offsets = [0, 0], sizes = [256, 1024], strides = [1, 1]} : vector<256x2048xi16> to vector<256x1024xi16>
    %slice3A_456 = vector.extract_strided_slice %add3A_454 {offsets = [0, 1024], sizes = [256, 1024], strides = [1, 1]} : vector<256x2048xi16> to vector<256x1024xi16>
    %add3A_457 = arith.addi %slice3A_455, %slice3A_456 : vector<256x1024xi16>
    %slice3A_458 = vector.extract_strided_slice %add3A_457 {offsets = [0, 0], sizes = [256, 512], strides = [1, 1]} : vector<256x1024xi16> to vector<256x512xi16>
    %slice3A_459 = vector.extract_strided_slice %add3A_457 {offsets = [0, 512], sizes = [256, 512], strides = [1, 1]} : vector<256x1024xi16> to vector<256x512xi16>
    %add3A_460 = arith.addi %slice3A_458, %slice3A_459 : vector<256x512xi16>
    %slice3A_461 = vector.extract_strided_slice %add3A_460 {offsets = [0, 0], sizes = [256, 256], strides = [1, 1]} : vector<256x512xi16> to vector<256x256xi16>
    %slice3A_462 = vector.extract_strided_slice %add3A_460 {offsets = [0, 256], sizes = [256, 256], strides = [1, 1]} : vector<256x512xi16> to vector<256x256xi16>
    %add3A_463 = arith.addi %slice3A_461, %slice3A_462 : vector<256x256xi16>
    %slice3A_464 = vector.extract_strided_slice %add3A_463 {offsets = [0, 0], sizes = [256, 128], strides = [1, 1]} : vector<256x256xi16> to vector<256x128xi16>
    %slice3A_465 = vector.extract_strided_slice %add3A_463 {offsets = [0, 128], sizes = [256, 128], strides = [1, 1]} : vector<256x256xi16> to vector<256x128xi16>
    %add3A_466 = arith.addi %slice3A_464, %slice3A_465 : vector<256x128xi16>
    %convert_element_type3A_467 = arith.extsi %add3A_466 : vector<256x128xi16> to vector<256x128xi32>
    %reduce_sum3A_468 = arith.constant dense<0> : vector<256xi32>
    %reduce_sum3A_469 = vector.multi_reduction <add>, %convert_element_type3A_467, %reduce_sum3A_468 [1] : vector<256x128xi32> to vector<256xi32>
    %broadcast_in_dim3A_470 = vector.shape_cast %reduce_sum3A_469 : vector<256xi32> to vector<256x1xi32>
    %ge3A_471 = arith.constant 204 : i32
    %ge3A_472 = vector.broadcast %ge3A_471 : i32 to vector<256x1xi32>
    %ge3A_473 = arith.cmpi sge, %broadcast_in_dim3A_470, %ge3A_472 : vector<256x1xi32>
    %select_n3A_474 = arith.select %ge3A_473, %or3A_444, %select_n3A_441 : vector<256x1xi1>, vector<256x1xi32>
    %or3A_475 = arith.constant 2 : i32
    %or3A_476 = vector.broadcast %or3A_475 : i32 to vector<256x1xi32>
    %or3A_477 = arith.ori %select_n3A_474, %or3A_476 : vector<256x1xi32>
    %sub3A_478 = arith.constant 32768 : i32
    %sub3A_479 = vector.broadcast %sub3A_478 : i32 to vector<256x1xi32>
    %sub3A_480 = arith.subi %or3A_477, %sub3A_479 : vector<256x1xi32>
    %convert_element_type3A_481 = arith.trunci %sub3A_480 : vector<256x1xi32> to vector<256x1xi16>
    %ge3A_482 = vector.broadcast %convert_element_type3A_481 : vector<256x1xi16> to vector<256x4096xi16>
    %ge3A_483 = arith.cmpi sge, %select_n3A, %ge3A_482 : vector<256x4096xi16>
    %convert_element_type3A_484 = arith.extui %ge3A_483 : vector<256x4096xi1> to vector<256x4096xi16>
    %slice3A_485 = vector.extract_strided_slice %convert_element_type3A_484 {offsets = [0, 0], sizes = [256, 2048], strides = [1, 1]} : vector<256x4096xi16> to vector<256x2048xi16>
    %slice3A_486 = vector.extract_strided_slice %convert_element_type3A_484 {offsets = [0, 2048], sizes = [256, 2048], strides = [1, 1]} : vector<256x4096xi16> to vector<256x2048xi16>
    %add3A_487 = arith.addi %slice3A_485, %slice3A_486 : vector<256x2048xi16>
    %slice3A_488 = vector.extract_strided_slice %add3A_487 {offsets = [0, 0], sizes = [256, 1024], strides = [1, 1]} : vector<256x2048xi16> to vector<256x1024xi16>
    %slice3A_489 = vector.extract_strided_slice %add3A_487 {offsets = [0, 1024], sizes = [256, 1024], strides = [1, 1]} : vector<256x2048xi16> to vector<256x1024xi16>
    %add3A_490 = arith.addi %slice3A_488, %slice3A_489 : vector<256x1024xi16>
    %slice3A_491 = vector.extract_strided_slice %add3A_490 {offsets = [0, 0], sizes = [256, 512], strides = [1, 1]} : vector<256x1024xi16> to vector<256x512xi16>
    %slice3A_492 = vector.extract_strided_slice %add3A_490 {offsets = [0, 512], sizes = [256, 512], strides = [1, 1]} : vector<256x1024xi16> to vector<256x512xi16>
    %add3A_493 = arith.addi %slice3A_491, %slice3A_492 : vector<256x512xi16>
    %slice3A_494 = vector.extract_strided_slice %add3A_493 {offsets = [0, 0], sizes = [256, 256], strides = [1, 1]} : vector<256x512xi16> to vector<256x256xi16>
    %slice3A_495 = vector.extract_strided_slice %add3A_493 {offsets = [0, 256], sizes = [256, 256], strides = [1, 1]} : vector<256x512xi16> to vector<256x256xi16>
    %add3A_496 = arith.addi %slice3A_494, %slice3A_495 : vector<256x256xi16>
    %slice3A_497 = vector.extract_strided_slice %add3A_496 {offsets = [0, 0], sizes = [256, 128], strides = [1, 1]} : vector<256x256xi16> to vector<256x128xi16>
    %slice3A_498 = vector.extract_strided_slice %add3A_496 {offsets = [0, 128], sizes = [256, 128], strides = [1, 1]} : vector<256x256xi16> to vector<256x128xi16>
    %add3A_499 = arith.addi %slice3A_497, %slice3A_498 : vector<256x128xi16>
    %convert_element_type3A_500 = arith.extsi %add3A_499 : vector<256x128xi16> to vector<256x128xi32>
    %reduce_sum3A_501 = arith.constant dense<0> : vector<256xi32>
    %reduce_sum3A_502 = vector.multi_reduction <add>, %convert_element_type3A_500, %reduce_sum3A_501 [1] : vector<256x128xi32> to vector<256xi32>
    %broadcast_in_dim3A_503 = vector.shape_cast %reduce_sum3A_502 : vector<256xi32> to vector<256x1xi32>
    %ge3A_504 = arith.constant 204 : i32
    %ge3A_505 = vector.broadcast %ge3A_504 : i32 to vector<256x1xi32>
    %ge3A_506 = arith.cmpi sge, %broadcast_in_dim3A_503, %ge3A_505 : vector<256x1xi32>
    %select_n3A_507 = arith.select %ge3A_506, %or3A_477, %select_n3A_474 : vector<256x1xi1>, vector<256x1xi32>
    %or3A_508 = arith.constant 1 : i32
    %or3A_509 = vector.broadcast %or3A_508 : i32 to vector<256x1xi32>
    %or3A_510 = arith.ori %select_n3A_507, %or3A_509 : vector<256x1xi32>
    %sub3A_511 = arith.constant 32768 : i32
    %sub3A_512 = vector.broadcast %sub3A_511 : i32 to vector<256x1xi32>
    %sub3A_513 = arith.subi %or3A_510, %sub3A_512 : vector<256x1xi32>
    %convert_element_type3A_514 = arith.trunci %sub3A_513 : vector<256x1xi32> to vector<256x1xi16>
    %ge3A_515 = vector.broadcast %convert_element_type3A_514 : vector<256x1xi16> to vector<256x4096xi16>
    %ge3A_516 = arith.cmpi sge, %select_n3A, %ge3A_515 : vector<256x4096xi16>
    %convert_element_type3A_517 = arith.extui %ge3A_516 : vector<256x4096xi1> to vector<256x4096xi16>
    %slice3A_518 = vector.extract_strided_slice %convert_element_type3A_517 {offsets = [0, 0], sizes = [256, 2048], strides = [1, 1]} : vector<256x4096xi16> to vector<256x2048xi16>
    %slice3A_519 = vector.extract_strided_slice %convert_element_type3A_517 {offsets = [0, 2048], sizes = [256, 2048], strides = [1, 1]} : vector<256x4096xi16> to vector<256x2048xi16>
    %add3A_520 = arith.addi %slice3A_518, %slice3A_519 : vector<256x2048xi16>
    %slice3A_521 = vector.extract_strided_slice %add3A_520 {offsets = [0, 0], sizes = [256, 1024], strides = [1, 1]} : vector<256x2048xi16> to vector<256x1024xi16>
    %slice3A_522 = vector.extract_strided_slice %add3A_520 {offsets = [0, 1024], sizes = [256, 1024], strides = [1, 1]} : vector<256x2048xi16> to vector<256x1024xi16>
    %add3A_523 = arith.addi %slice3A_521, %slice3A_522 : vector<256x1024xi16>
    %slice3A_524 = vector.extract_strided_slice %add3A_523 {offsets = [0, 0], sizes = [256, 512], strides = [1, 1]} : vector<256x1024xi16> to vector<256x512xi16>
    %slice3A_525 = vector.extract_strided_slice %add3A_523 {offsets = [0, 512], sizes = [256, 512], strides = [1, 1]} : vector<256x1024xi16> to vector<256x512xi16>
    %add3A_526 = arith.addi %slice3A_524, %slice3A_525 : vector<256x512xi16>
    %slice3A_527 = vector.extract_strided_slice %add3A_526 {offsets = [0, 0], sizes = [256, 256], strides = [1, 1]} : vector<256x512xi16> to vector<256x256xi16>
    %slice3A_528 = vector.extract_strided_slice %add3A_526 {offsets = [0, 256], sizes = [256, 256], strides = [1, 1]} : vector<256x512xi16> to vector<256x256xi16>
    %add3A_529 = arith.addi %slice3A_527, %slice3A_528 : vector<256x256xi16>
    %slice3A_530 = vector.extract_strided_slice %add3A_529 {offsets = [0, 0], sizes = [256, 128], strides = [1, 1]} : vector<256x256xi16> to vector<256x128xi16>
    %slice3A_531 = vector.extract_strided_slice %add3A_529 {offsets = [0, 128], sizes = [256, 128], strides = [1, 1]} : vector<256x256xi16> to vector<256x128xi16>
    %add3A_532 = arith.addi %slice3A_530, %slice3A_531 : vector<256x128xi16>
    %convert_element_type3A_533 = arith.extsi %add3A_532 : vector<256x128xi16> to vector<256x128xi32>
    %reduce_sum3A_534 = arith.constant dense<0> : vector<256xi32>
    %reduce_sum3A_535 = vector.multi_reduction <add>, %convert_element_type3A_533, %reduce_sum3A_534 [1] : vector<256x128xi32> to vector<256xi32>
    %broadcast_in_dim3A_536 = vector.shape_cast %reduce_sum3A_535 : vector<256xi32> to vector<256x1xi32>
    %ge3A_537 = arith.constant 204 : i32
    %ge3A_538 = vector.broadcast %ge3A_537 : i32 to vector<256x1xi32>
    %ge3A_539 = arith.cmpi sge, %broadcast_in_dim3A_536, %ge3A_538 : vector<256x1xi32>
    %select_n3A_540 = arith.select %ge3A_539, %or3A_510, %select_n3A_507 : vector<256x1xi1>, vector<256x1xi32>
    %sub3A_541 = arith.constant 32768 : i32
    %sub3A_542 = vector.broadcast %sub3A_541 : i32 to vector<256x1xi32>
    %sub3A_543 = arith.subi %select_n3A_540, %sub3A_542 : vector<256x1xi32>
    %convert_element_type3A_544 = arith.trunci %sub3A_543 : vector<256x1xi32> to vector<256x1xi16>
    %gt3A = vector.broadcast %convert_element_type3A_544 : vector<256x1xi16> to vector<256x4096xi16>
    %gt3A_545 = arith.cmpi sgt, %select_n3A, %gt3A : vector<256x4096xi16>
    %convert_element_type3A_546 = arith.extui %gt3A_545 : vector<256x4096xi1> to vector<256x4096xi16>
    %slice3A_547 = vector.extract_strided_slice %convert_element_type3A_546 {offsets = [0, 0], sizes = [256, 2048], strides = [1, 1]} : vector<256x4096xi16> to vector<256x2048xi16>
    %slice3A_548 = vector.extract_strided_slice %convert_element_type3A_546 {offsets = [0, 2048], sizes = [256, 2048], strides = [1, 1]} : vector<256x4096xi16> to vector<256x2048xi16>
    %add3A_549 = arith.addi %slice3A_547, %slice3A_548 : vector<256x2048xi16>
    %slice3A_550 = vector.extract_strided_slice %add3A_549 {offsets = [0, 0], sizes = [256, 1024], strides = [1, 1]} : vector<256x2048xi16> to vector<256x1024xi16>
    %slice3A_551 = vector.extract_strided_slice %add3A_549 {offsets = [0, 1024], sizes = [256, 1024], strides = [1, 1]} : vector<256x2048xi16> to vector<256x1024xi16>
    %add3A_552 = arith.addi %slice3A_550, %slice3A_551 : vector<256x1024xi16>
    %slice3A_553 = vector.extract_strided_slice %add3A_552 {offsets = [0, 0], sizes = [256, 512], strides = [1, 1]} : vector<256x1024xi16> to vector<256x512xi16>
    %slice3A_554 = vector.extract_strided_slice %add3A_552 {offsets = [0, 512], sizes = [256, 512], strides = [1, 1]} : vector<256x1024xi16> to vector<256x512xi16>
    %add3A_555 = arith.addi %slice3A_553, %slice3A_554 : vector<256x512xi16>
    %slice3A_556 = vector.extract_strided_slice %add3A_555 {offsets = [0, 0], sizes = [256, 256], strides = [1, 1]} : vector<256x512xi16> to vector<256x256xi16>
    %slice3A_557 = vector.extract_strided_slice %add3A_555 {offsets = [0, 256], sizes = [256, 256], strides = [1, 1]} : vector<256x512xi16> to vector<256x256xi16>
    %add3A_558 = arith.addi %slice3A_556, %slice3A_557 : vector<256x256xi16>
    %slice3A_559 = vector.extract_strided_slice %add3A_558 {offsets = [0, 0], sizes = [256, 128], strides = [1, 1]} : vector<256x256xi16> to vector<256x128xi16>
    %slice3A_560 = vector.extract_strided_slice %add3A_558 {offsets = [0, 128], sizes = [256, 128], strides = [1, 1]} : vector<256x256xi16> to vector<256x128xi16>
    %add3A_561 = arith.addi %slice3A_559, %slice3A_560 : vector<256x128xi16>
    %convert_element_type3A_562 = arith.extsi %add3A_561 : vector<256x128xi16> to vector<256x128xi32>
    %reduce_sum3A_563 = arith.constant dense<0> : vector<256xi32>
    %reduce_sum3A_564 = vector.multi_reduction <add>, %convert_element_type3A_562, %reduce_sum3A_563 [1] : vector<256x128xi32> to vector<256xi32>
    %broadcast_in_dim3A_565 = vector.shape_cast %reduce_sum3A_564 : vector<256xi32> to vector<256x1xi32>
    %eq3A = vector.broadcast %convert_element_type3A_544 : vector<256x1xi16> to vector<256x4096xi16>
    %eq3A_566 = arith.cmpi eq, %select_n3A, %eq3A : vector<256x4096xi16>
    %jit3A = arith.constant -32768 : i16
    %broadcast_in_dim3A_567 = vector.broadcast %jit3A : i16 to vector<256x4096xi16>
    %select_n3A_568 = arith.select %eq3A_566, %select_n3A_16, %broadcast_in_dim3A_567 : vector<256x4096xi1>, vector<256x4096xi16>
    %broadcast_in_dim3A_569 = arith.constant 0 : i32
    %broadcast_in_dim3A_570 = vector.broadcast %broadcast_in_dim3A_569 : i32 to vector<256x1xi32>
    %or3A_571 = arith.constant 32768 : i32
    %or3A_572 = vector.broadcast %or3A_571 : i32 to vector<256x1xi32>
    %or3A_573 = arith.ori %broadcast_in_dim3A_570, %or3A_572 : vector<256x1xi32>
    %sub3A_574 = arith.constant 32768 : i32
    %sub3A_575 = vector.broadcast %sub3A_574 : i32 to vector<256x1xi32>
    %sub3A_576 = arith.subi %or3A_573, %sub3A_575 : vector<256x1xi32>
    %convert_element_type3A_577 = arith.trunci %sub3A_576 : vector<256x1xi32> to vector<256x1xi16>
    %ge3A_578 = vector.broadcast %convert_element_type3A_577 : vector<256x1xi16> to vector<256x4096xi16>
    %ge3A_579 = arith.cmpi sge, %select_n3A_568, %ge3A_578 : vector<256x4096xi16>
    %convert_element_type3A_580 = arith.extui %ge3A_579 : vector<256x4096xi1> to vector<256x4096xi16>
    %slice3A_581 = vector.extract_strided_slice %convert_element_type3A_580 {offsets = [0, 0], sizes = [256, 2048], strides = [1, 1]} : vector<256x4096xi16> to vector<256x2048xi16>
    %slice3A_582 = vector.extract_strided_slice %convert_element_type3A_580 {offsets = [0, 2048], sizes = [256, 2048], strides = [1, 1]} : vector<256x4096xi16> to vector<256x2048xi16>
    %add3A_583 = arith.addi %slice3A_581, %slice3A_582 : vector<256x2048xi16>
    %slice3A_584 = vector.extract_strided_slice %add3A_583 {offsets = [0, 0], sizes = [256, 1024], strides = [1, 1]} : vector<256x2048xi16> to vector<256x1024xi16>
    %slice3A_585 = vector.extract_strided_slice %add3A_583 {offsets = [0, 1024], sizes = [256, 1024], strides = [1, 1]} : vector<256x2048xi16> to vector<256x1024xi16>
    %add3A_586 = arith.addi %slice3A_584, %slice3A_585 : vector<256x1024xi16>
    %slice3A_587 = vector.extract_strided_slice %add3A_586 {offsets = [0, 0], sizes = [256, 512], strides = [1, 1]} : vector<256x1024xi16> to vector<256x512xi16>
    %slice3A_588 = vector.extract_strided_slice %add3A_586 {offsets = [0, 512], sizes = [256, 512], strides = [1, 1]} : vector<256x1024xi16> to vector<256x512xi16>
    %add3A_589 = arith.addi %slice3A_587, %slice3A_588 : vector<256x512xi16>
    %slice3A_590 = vector.extract_strided_slice %add3A_589 {offsets = [0, 0], sizes = [256, 256], strides = [1, 1]} : vector<256x512xi16> to vector<256x256xi16>
    %slice3A_591 = vector.extract_strided_slice %add3A_589 {offsets = [0, 256], sizes = [256, 256], strides = [1, 1]} : vector<256x512xi16> to vector<256x256xi16>
    %add3A_592 = arith.addi %slice3A_590, %slice3A_591 : vector<256x256xi16>
    %slice3A_593 = vector.extract_strided_slice %add3A_592 {offsets = [0, 0], sizes = [256, 128], strides = [1, 1]} : vector<256x256xi16> to vector<256x128xi16>
    %slice3A_594 = vector.extract_strided_slice %add3A_592 {offsets = [0, 128], sizes = [256, 128], strides = [1, 1]} : vector<256x256xi16> to vector<256x128xi16>
    %add3A_595 = arith.addi %slice3A_593, %slice3A_594 : vector<256x128xi16>
    %convert_element_type3A_596 = arith.extsi %add3A_595 : vector<256x128xi16> to vector<256x128xi32>
    %reduce_sum3A_597 = arith.constant dense<0> : vector<256xi32>
    %reduce_sum3A_598 = vector.multi_reduction <add>, %convert_element_type3A_596, %reduce_sum3A_597 [1] : vector<256x128xi32> to vector<256xi32>
    %broadcast_in_dim3A_599 = vector.shape_cast %reduce_sum3A_598 : vector<256xi32> to vector<256x1xi32>
    %add3A_600 = arith.addi %broadcast_in_dim3A_565, %broadcast_in_dim3A_599 : vector<256x1xi32>
    %ge3A_601 = arith.constant 204 : i32
    %ge3A_602 = vector.broadcast %ge3A_601 : i32 to vector<256x1xi32>
    %ge3A_603 = arith.cmpi sge, %add3A_600, %ge3A_602 : vector<256x1xi32>
    %select_n3A_604 = arith.select %ge3A_603, %or3A_573, %broadcast_in_dim3A_570 : vector<256x1xi1>, vector<256x1xi32>
    %or3A_605 = arith.constant 16384 : i32
    %or3A_606 = vector.broadcast %or3A_605 : i32 to vector<256x1xi32>
    %or3A_607 = arith.ori %select_n3A_604, %or3A_606 : vector<256x1xi32>
    %sub3A_608 = arith.constant 32768 : i32
    %sub3A_609 = vector.broadcast %sub3A_608 : i32 to vector<256x1xi32>
    %sub3A_610 = arith.subi %or3A_607, %sub3A_609 : vector<256x1xi32>
    %convert_element_type3A_611 = arith.trunci %sub3A_610 : vector<256x1xi32> to vector<256x1xi16>
    %ge3A_612 = vector.broadcast %convert_element_type3A_611 : vector<256x1xi16> to vector<256x4096xi16>
    %ge3A_613 = arith.cmpi sge, %select_n3A_568, %ge3A_612 : vector<256x4096xi16>
    %convert_element_type3A_614 = arith.extui %ge3A_613 : vector<256x4096xi1> to vector<256x4096xi16>
    %slice3A_615 = vector.extract_strided_slice %convert_element_type3A_614 {offsets = [0, 0], sizes = [256, 2048], strides = [1, 1]} : vector<256x4096xi16> to vector<256x2048xi16>
    %slice3A_616 = vector.extract_strided_slice %convert_element_type3A_614 {offsets = [0, 2048], sizes = [256, 2048], strides = [1, 1]} : vector<256x4096xi16> to vector<256x2048xi16>
    %add3A_617 = arith.addi %slice3A_615, %slice3A_616 : vector<256x2048xi16>
    %slice3A_618 = vector.extract_strided_slice %add3A_617 {offsets = [0, 0], sizes = [256, 1024], strides = [1, 1]} : vector<256x2048xi16> to vector<256x1024xi16>
    %slice3A_619 = vector.extract_strided_slice %add3A_617 {offsets = [0, 1024], sizes = [256, 1024], strides = [1, 1]} : vector<256x2048xi16> to vector<256x1024xi16>
    %add3A_620 = arith.addi %slice3A_618, %slice3A_619 : vector<256x1024xi16>
    %slice3A_621 = vector.extract_strided_slice %add3A_620 {offsets = [0, 0], sizes = [256, 512], strides = [1, 1]} : vector<256x1024xi16> to vector<256x512xi16>
    %slice3A_622 = vector.extract_strided_slice %add3A_620 {offsets = [0, 512], sizes = [256, 512], strides = [1, 1]} : vector<256x1024xi16> to vector<256x512xi16>
    %add3A_623 = arith.addi %slice3A_621, %slice3A_622 : vector<256x512xi16>
    %slice3A_624 = vector.extract_strided_slice %add3A_623 {offsets = [0, 0], sizes = [256, 256], strides = [1, 1]} : vector<256x512xi16> to vector<256x256xi16>
    %slice3A_625 = vector.extract_strided_slice %add3A_623 {offsets = [0, 256], sizes = [256, 256], strides = [1, 1]} : vector<256x512xi16> to vector<256x256xi16>
    %add3A_626 = arith.addi %slice3A_624, %slice3A_625 : vector<256x256xi16>
    %slice3A_627 = vector.extract_strided_slice %add3A_626 {offsets = [0, 0], sizes = [256, 128], strides = [1, 1]} : vector<256x256xi16> to vector<256x128xi16>
    %slice3A_628 = vector.extract_strided_slice %add3A_626 {offsets = [0, 128], sizes = [256, 128], strides = [1, 1]} : vector<256x256xi16> to vector<256x128xi16>
    %add3A_629 = arith.addi %slice3A_627, %slice3A_628 : vector<256x128xi16>
    %convert_element_type3A_630 = arith.extsi %add3A_629 : vector<256x128xi16> to vector<256x128xi32>
    %reduce_sum3A_631 = arith.constant dense<0> : vector<256xi32>
    %reduce_sum3A_632 = vector.multi_reduction <add>, %convert_element_type3A_630, %reduce_sum3A_631 [1] : vector<256x128xi32> to vector<256xi32>
    %broadcast_in_dim3A_633 = vector.shape_cast %reduce_sum3A_632 : vector<256xi32> to vector<256x1xi32>
    %add3A_634 = arith.addi %broadcast_in_dim3A_565, %broadcast_in_dim3A_633 : vector<256x1xi32>
    %ge3A_635 = arith.constant 204 : i32
    %ge3A_636 = vector.broadcast %ge3A_635 : i32 to vector<256x1xi32>
    %ge3A_637 = arith.cmpi sge, %add3A_634, %ge3A_636 : vector<256x1xi32>
    %select_n3A_638 = arith.select %ge3A_637, %or3A_607, %select_n3A_604 : vector<256x1xi1>, vector<256x1xi32>
    %or3A_639 = arith.constant 8192 : i32
    %or3A_640 = vector.broadcast %or3A_639 : i32 to vector<256x1xi32>
    %or3A_641 = arith.ori %select_n3A_638, %or3A_640 : vector<256x1xi32>
    %sub3A_642 = arith.constant 32768 : i32
    %sub3A_643 = vector.broadcast %sub3A_642 : i32 to vector<256x1xi32>
    %sub3A_644 = arith.subi %or3A_641, %sub3A_643 : vector<256x1xi32>
    %convert_element_type3A_645 = arith.trunci %sub3A_644 : vector<256x1xi32> to vector<256x1xi16>
    %ge3A_646 = vector.broadcast %convert_element_type3A_645 : vector<256x1xi16> to vector<256x4096xi16>
    %ge3A_647 = arith.cmpi sge, %select_n3A_568, %ge3A_646 : vector<256x4096xi16>
    %convert_element_type3A_648 = arith.extui %ge3A_647 : vector<256x4096xi1> to vector<256x4096xi16>
    %slice3A_649 = vector.extract_strided_slice %convert_element_type3A_648 {offsets = [0, 0], sizes = [256, 2048], strides = [1, 1]} : vector<256x4096xi16> to vector<256x2048xi16>
    %slice3A_650 = vector.extract_strided_slice %convert_element_type3A_648 {offsets = [0, 2048], sizes = [256, 2048], strides = [1, 1]} : vector<256x4096xi16> to vector<256x2048xi16>
    %add3A_651 = arith.addi %slice3A_649, %slice3A_650 : vector<256x2048xi16>
    %slice3A_652 = vector.extract_strided_slice %add3A_651 {offsets = [0, 0], sizes = [256, 1024], strides = [1, 1]} : vector<256x2048xi16> to vector<256x1024xi16>
    %slice3A_653 = vector.extract_strided_slice %add3A_651 {offsets = [0, 1024], sizes = [256, 1024], strides = [1, 1]} : vector<256x2048xi16> to vector<256x1024xi16>
    %add3A_654 = arith.addi %slice3A_652, %slice3A_653 : vector<256x1024xi16>
    %slice3A_655 = vector.extract_strided_slice %add3A_654 {offsets = [0, 0], sizes = [256, 512], strides = [1, 1]} : vector<256x1024xi16> to vector<256x512xi16>
    %slice3A_656 = vector.extract_strided_slice %add3A_654 {offsets = [0, 512], sizes = [256, 512], strides = [1, 1]} : vector<256x1024xi16> to vector<256x512xi16>
    %add3A_657 = arith.addi %slice3A_655, %slice3A_656 : vector<256x512xi16>
    %slice3A_658 = vector.extract_strided_slice %add3A_657 {offsets = [0, 0], sizes = [256, 256], strides = [1, 1]} : vector<256x512xi16> to vector<256x256xi16>
    %slice3A_659 = vector.extract_strided_slice %add3A_657 {offsets = [0, 256], sizes = [256, 256], strides = [1, 1]} : vector<256x512xi16> to vector<256x256xi16>
    %add3A_660 = arith.addi %slice3A_658, %slice3A_659 : vector<256x256xi16>
    %slice3A_661 = vector.extract_strided_slice %add3A_660 {offsets = [0, 0], sizes = [256, 128], strides = [1, 1]} : vector<256x256xi16> to vector<256x128xi16>
    %slice3A_662 = vector.extract_strided_slice %add3A_660 {offsets = [0, 128], sizes = [256, 128], strides = [1, 1]} : vector<256x256xi16> to vector<256x128xi16>
    %add3A_663 = arith.addi %slice3A_661, %slice3A_662 : vector<256x128xi16>
    %convert_element_type3A_664 = arith.extsi %add3A_663 : vector<256x128xi16> to vector<256x128xi32>
    %reduce_sum3A_665 = arith.constant dense<0> : vector<256xi32>
    %reduce_sum3A_666 = vector.multi_reduction <add>, %convert_element_type3A_664, %reduce_sum3A_665 [1] : vector<256x128xi32> to vector<256xi32>
    %broadcast_in_dim3A_667 = vector.shape_cast %reduce_sum3A_666 : vector<256xi32> to vector<256x1xi32>
    %add3A_668 = arith.addi %broadcast_in_dim3A_565, %broadcast_in_dim3A_667 : vector<256x1xi32>
    %ge3A_669 = arith.constant 204 : i32
    %ge3A_670 = vector.broadcast %ge3A_669 : i32 to vector<256x1xi32>
    %ge3A_671 = arith.cmpi sge, %add3A_668, %ge3A_670 : vector<256x1xi32>
    %select_n3A_672 = arith.select %ge3A_671, %or3A_641, %select_n3A_638 : vector<256x1xi1>, vector<256x1xi32>
    %or3A_673 = arith.constant 4096 : i32
    %or3A_674 = vector.broadcast %or3A_673 : i32 to vector<256x1xi32>
    %or3A_675 = arith.ori %select_n3A_672, %or3A_674 : vector<256x1xi32>
    %sub3A_676 = arith.constant 32768 : i32
    %sub3A_677 = vector.broadcast %sub3A_676 : i32 to vector<256x1xi32>
    %sub3A_678 = arith.subi %or3A_675, %sub3A_677 : vector<256x1xi32>
    %convert_element_type3A_679 = arith.trunci %sub3A_678 : vector<256x1xi32> to vector<256x1xi16>
    %ge3A_680 = vector.broadcast %convert_element_type3A_679 : vector<256x1xi16> to vector<256x4096xi16>
    %ge3A_681 = arith.cmpi sge, %select_n3A_568, %ge3A_680 : vector<256x4096xi16>
    %convert_element_type3A_682 = arith.extui %ge3A_681 : vector<256x4096xi1> to vector<256x4096xi16>
    %slice3A_683 = vector.extract_strided_slice %convert_element_type3A_682 {offsets = [0, 0], sizes = [256, 2048], strides = [1, 1]} : vector<256x4096xi16> to vector<256x2048xi16>
    %slice3A_684 = vector.extract_strided_slice %convert_element_type3A_682 {offsets = [0, 2048], sizes = [256, 2048], strides = [1, 1]} : vector<256x4096xi16> to vector<256x2048xi16>
    %add3A_685 = arith.addi %slice3A_683, %slice3A_684 : vector<256x2048xi16>
    %slice3A_686 = vector.extract_strided_slice %add3A_685 {offsets = [0, 0], sizes = [256, 1024], strides = [1, 1]} : vector<256x2048xi16> to vector<256x1024xi16>
    %slice3A_687 = vector.extract_strided_slice %add3A_685 {offsets = [0, 1024], sizes = [256, 1024], strides = [1, 1]} : vector<256x2048xi16> to vector<256x1024xi16>
    %add3A_688 = arith.addi %slice3A_686, %slice3A_687 : vector<256x1024xi16>
    %slice3A_689 = vector.extract_strided_slice %add3A_688 {offsets = [0, 0], sizes = [256, 512], strides = [1, 1]} : vector<256x1024xi16> to vector<256x512xi16>
    %slice3A_690 = vector.extract_strided_slice %add3A_688 {offsets = [0, 512], sizes = [256, 512], strides = [1, 1]} : vector<256x1024xi16> to vector<256x512xi16>
    %add3A_691 = arith.addi %slice3A_689, %slice3A_690 : vector<256x512xi16>
    %slice3A_692 = vector.extract_strided_slice %add3A_691 {offsets = [0, 0], sizes = [256, 256], strides = [1, 1]} : vector<256x512xi16> to vector<256x256xi16>
    %slice3A_693 = vector.extract_strided_slice %add3A_691 {offsets = [0, 256], sizes = [256, 256], strides = [1, 1]} : vector<256x512xi16> to vector<256x256xi16>
    %add3A_694 = arith.addi %slice3A_692, %slice3A_693 : vector<256x256xi16>
    %slice3A_695 = vector.extract_strided_slice %add3A_694 {offsets = [0, 0], sizes = [256, 128], strides = [1, 1]} : vector<256x256xi16> to vector<256x128xi16>
    %slice3A_696 = vector.extract_strided_slice %add3A_694 {offsets = [0, 128], sizes = [256, 128], strides = [1, 1]} : vector<256x256xi16> to vector<256x128xi16>
    %add3A_697 = arith.addi %slice3A_695, %slice3A_696 : vector<256x128xi16>
    %convert_element_type3A_698 = arith.extsi %add3A_697 : vector<256x128xi16> to vector<256x128xi32>
    %reduce_sum3A_699 = arith.constant dense<0> : vector<256xi32>
    %reduce_sum3A_700 = vector.multi_reduction <add>, %convert_element_type3A_698, %reduce_sum3A_699 [1] : vector<256x128xi32> to vector<256xi32>
    %broadcast_in_dim3A_701 = vector.shape_cast %reduce_sum3A_700 : vector<256xi32> to vector<256x1xi32>
    %add3A_702 = arith.addi %broadcast_in_dim3A_565, %broadcast_in_dim3A_701 : vector<256x1xi32>
    %ge3A_703 = arith.constant 204 : i32
    %ge3A_704 = vector.broadcast %ge3A_703 : i32 to vector<256x1xi32>
    %ge3A_705 = arith.cmpi sge, %add3A_702, %ge3A_704 : vector<256x1xi32>
    %select_n3A_706 = arith.select %ge3A_705, %or3A_675, %select_n3A_672 : vector<256x1xi1>, vector<256x1xi32>
    %or3A_707 = arith.constant 2048 : i32
    %or3A_708 = vector.broadcast %or3A_707 : i32 to vector<256x1xi32>
    %or3A_709 = arith.ori %select_n3A_706, %or3A_708 : vector<256x1xi32>
    %sub3A_710 = arith.constant 32768 : i32
    %sub3A_711 = vector.broadcast %sub3A_710 : i32 to vector<256x1xi32>
    %sub3A_712 = arith.subi %or3A_709, %sub3A_711 : vector<256x1xi32>
    %convert_element_type3A_713 = arith.trunci %sub3A_712 : vector<256x1xi32> to vector<256x1xi16>
    %ge3A_714 = vector.broadcast %convert_element_type3A_713 : vector<256x1xi16> to vector<256x4096xi16>
    %ge3A_715 = arith.cmpi sge, %select_n3A_568, %ge3A_714 : vector<256x4096xi16>
    %convert_element_type3A_716 = arith.extui %ge3A_715 : vector<256x4096xi1> to vector<256x4096xi16>
    %slice3A_717 = vector.extract_strided_slice %convert_element_type3A_716 {offsets = [0, 0], sizes = [256, 2048], strides = [1, 1]} : vector<256x4096xi16> to vector<256x2048xi16>
    %slice3A_718 = vector.extract_strided_slice %convert_element_type3A_716 {offsets = [0, 2048], sizes = [256, 2048], strides = [1, 1]} : vector<256x4096xi16> to vector<256x2048xi16>
    %add3A_719 = arith.addi %slice3A_717, %slice3A_718 : vector<256x2048xi16>
    %slice3A_720 = vector.extract_strided_slice %add3A_719 {offsets = [0, 0], sizes = [256, 1024], strides = [1, 1]} : vector<256x2048xi16> to vector<256x1024xi16>
    %slice3A_721 = vector.extract_strided_slice %add3A_719 {offsets = [0, 1024], sizes = [256, 1024], strides = [1, 1]} : vector<256x2048xi16> to vector<256x1024xi16>
    %add3A_722 = arith.addi %slice3A_720, %slice3A_721 : vector<256x1024xi16>
    %slice3A_723 = vector.extract_strided_slice %add3A_722 {offsets = [0, 0], sizes = [256, 512], strides = [1, 1]} : vector<256x1024xi16> to vector<256x512xi16>
    %slice3A_724 = vector.extract_strided_slice %add3A_722 {offsets = [0, 512], sizes = [256, 512], strides = [1, 1]} : vector<256x1024xi16> to vector<256x512xi16>
    %add3A_725 = arith.addi %slice3A_723, %slice3A_724 : vector<256x512xi16>
    %slice3A_726 = vector.extract_strided_slice %add3A_725 {offsets = [0, 0], sizes = [256, 256], strides = [1, 1]} : vector<256x512xi16> to vector<256x256xi16>
    %slice3A_727 = vector.extract_strided_slice %add3A_725 {offsets = [0, 256], sizes = [256, 256], strides = [1, 1]} : vector<256x512xi16> to vector<256x256xi16>
    %add3A_728 = arith.addi %slice3A_726, %slice3A_727 : vector<256x256xi16>
    %slice3A_729 = vector.extract_strided_slice %add3A_728 {offsets = [0, 0], sizes = [256, 128], strides = [1, 1]} : vector<256x256xi16> to vector<256x128xi16>
    %slice3A_730 = vector.extract_strided_slice %add3A_728 {offsets = [0, 128], sizes = [256, 128], strides = [1, 1]} : vector<256x256xi16> to vector<256x128xi16>
    %add3A_731 = arith.addi %slice3A_729, %slice3A_730 : vector<256x128xi16>
    %convert_element_type3A_732 = arith.extsi %add3A_731 : vector<256x128xi16> to vector<256x128xi32>
    %reduce_sum3A_733 = arith.constant dense<0> : vector<256xi32>
    %reduce_sum3A_734 = vector.multi_reduction <add>, %convert_element_type3A_732, %reduce_sum3A_733 [1] : vector<256x128xi32> to vector<256xi32>
    %broadcast_in_dim3A_735 = vector.shape_cast %reduce_sum3A_734 : vector<256xi32> to vector<256x1xi32>
    %add3A_736 = arith.addi %broadcast_in_dim3A_565, %broadcast_in_dim3A_735 : vector<256x1xi32>
    %ge3A_737 = arith.constant 204 : i32
    %ge3A_738 = vector.broadcast %ge3A_737 : i32 to vector<256x1xi32>
    %ge3A_739 = arith.cmpi sge, %add3A_736, %ge3A_738 : vector<256x1xi32>
    %select_n3A_740 = arith.select %ge3A_739, %or3A_709, %select_n3A_706 : vector<256x1xi1>, vector<256x1xi32>
    %or3A_741 = arith.constant 1024 : i32
    %or3A_742 = vector.broadcast %or3A_741 : i32 to vector<256x1xi32>
    %or3A_743 = arith.ori %select_n3A_740, %or3A_742 : vector<256x1xi32>
    %sub3A_744 = arith.constant 32768 : i32
    %sub3A_745 = vector.broadcast %sub3A_744 : i32 to vector<256x1xi32>
    %sub3A_746 = arith.subi %or3A_743, %sub3A_745 : vector<256x1xi32>
    %convert_element_type3A_747 = arith.trunci %sub3A_746 : vector<256x1xi32> to vector<256x1xi16>
    %ge3A_748 = vector.broadcast %convert_element_type3A_747 : vector<256x1xi16> to vector<256x4096xi16>
    %ge3A_749 = arith.cmpi sge, %select_n3A_568, %ge3A_748 : vector<256x4096xi16>
    %convert_element_type3A_750 = arith.extui %ge3A_749 : vector<256x4096xi1> to vector<256x4096xi16>
    %slice3A_751 = vector.extract_strided_slice %convert_element_type3A_750 {offsets = [0, 0], sizes = [256, 2048], strides = [1, 1]} : vector<256x4096xi16> to vector<256x2048xi16>
    %slice3A_752 = vector.extract_strided_slice %convert_element_type3A_750 {offsets = [0, 2048], sizes = [256, 2048], strides = [1, 1]} : vector<256x4096xi16> to vector<256x2048xi16>
    %add3A_753 = arith.addi %slice3A_751, %slice3A_752 : vector<256x2048xi16>
    %slice3A_754 = vector.extract_strided_slice %add3A_753 {offsets = [0, 0], sizes = [256, 1024], strides = [1, 1]} : vector<256x2048xi16> to vector<256x1024xi16>
    %slice3A_755 = vector.extract_strided_slice %add3A_753 {offsets = [0, 1024], sizes = [256, 1024], strides = [1, 1]} : vector<256x2048xi16> to vector<256x1024xi16>
    %add3A_756 = arith.addi %slice3A_754, %slice3A_755 : vector<256x1024xi16>
    %slice3A_757 = vector.extract_strided_slice %add3A_756 {offsets = [0, 0], sizes = [256, 512], strides = [1, 1]} : vector<256x1024xi16> to vector<256x512xi16>
    %slice3A_758 = vector.extract_strided_slice %add3A_756 {offsets = [0, 512], sizes = [256, 512], strides = [1, 1]} : vector<256x1024xi16> to vector<256x512xi16>
    %add3A_759 = arith.addi %slice3A_757, %slice3A_758 : vector<256x512xi16>
    %slice3A_760 = vector.extract_strided_slice %add3A_759 {offsets = [0, 0], sizes = [256, 256], strides = [1, 1]} : vector<256x512xi16> to vector<256x256xi16>
    %slice3A_761 = vector.extract_strided_slice %add3A_759 {offsets = [0, 256], sizes = [256, 256], strides = [1, 1]} : vector<256x512xi16> to vector<256x256xi16>
    %add3A_762 = arith.addi %slice3A_760, %slice3A_761 : vector<256x256xi16>
    %slice3A_763 = vector.extract_strided_slice %add3A_762 {offsets = [0, 0], sizes = [256, 128], strides = [1, 1]} : vector<256x256xi16> to vector<256x128xi16>
    %slice3A_764 = vector.extract_strided_slice %add3A_762 {offsets = [0, 128], sizes = [256, 128], strides = [1, 1]} : vector<256x256xi16> to vector<256x128xi16>
    %add3A_765 = arith.addi %slice3A_763, %slice3A_764 : vector<256x128xi16>
    %convert_element_type3A_766 = arith.extsi %add3A_765 : vector<256x128xi16> to vector<256x128xi32>
    %reduce_sum3A_767 = arith.constant dense<0> : vector<256xi32>
    %reduce_sum3A_768 = vector.multi_reduction <add>, %convert_element_type3A_766, %reduce_sum3A_767 [1] : vector<256x128xi32> to vector<256xi32>
    %broadcast_in_dim3A_769 = vector.shape_cast %reduce_sum3A_768 : vector<256xi32> to vector<256x1xi32>
    %add3A_770 = arith.addi %broadcast_in_dim3A_565, %broadcast_in_dim3A_769 : vector<256x1xi32>
    %ge3A_771 = arith.constant 204 : i32
    %ge3A_772 = vector.broadcast %ge3A_771 : i32 to vector<256x1xi32>
    %ge3A_773 = arith.cmpi sge, %add3A_770, %ge3A_772 : vector<256x1xi32>
    %select_n3A_774 = arith.select %ge3A_773, %or3A_743, %select_n3A_740 : vector<256x1xi1>, vector<256x1xi32>
    %or3A_775 = arith.constant 512 : i32
    %or3A_776 = vector.broadcast %or3A_775 : i32 to vector<256x1xi32>
    %or3A_777 = arith.ori %select_n3A_774, %or3A_776 : vector<256x1xi32>
    %sub3A_778 = arith.constant 32768 : i32
    %sub3A_779 = vector.broadcast %sub3A_778 : i32 to vector<256x1xi32>
    %sub3A_780 = arith.subi %or3A_777, %sub3A_779 : vector<256x1xi32>
    %convert_element_type3A_781 = arith.trunci %sub3A_780 : vector<256x1xi32> to vector<256x1xi16>
    %ge3A_782 = vector.broadcast %convert_element_type3A_781 : vector<256x1xi16> to vector<256x4096xi16>
    %ge3A_783 = arith.cmpi sge, %select_n3A_568, %ge3A_782 : vector<256x4096xi16>
    %convert_element_type3A_784 = arith.extui %ge3A_783 : vector<256x4096xi1> to vector<256x4096xi16>
    %slice3A_785 = vector.extract_strided_slice %convert_element_type3A_784 {offsets = [0, 0], sizes = [256, 2048], strides = [1, 1]} : vector<256x4096xi16> to vector<256x2048xi16>
    %slice3A_786 = vector.extract_strided_slice %convert_element_type3A_784 {offsets = [0, 2048], sizes = [256, 2048], strides = [1, 1]} : vector<256x4096xi16> to vector<256x2048xi16>
    %add3A_787 = arith.addi %slice3A_785, %slice3A_786 : vector<256x2048xi16>
    %slice3A_788 = vector.extract_strided_slice %add3A_787 {offsets = [0, 0], sizes = [256, 1024], strides = [1, 1]} : vector<256x2048xi16> to vector<256x1024xi16>
    %slice3A_789 = vector.extract_strided_slice %add3A_787 {offsets = [0, 1024], sizes = [256, 1024], strides = [1, 1]} : vector<256x2048xi16> to vector<256x1024xi16>
    %add3A_790 = arith.addi %slice3A_788, %slice3A_789 : vector<256x1024xi16>
    %slice3A_791 = vector.extract_strided_slice %add3A_790 {offsets = [0, 0], sizes = [256, 512], strides = [1, 1]} : vector<256x1024xi16> to vector<256x512xi16>
    %slice3A_792 = vector.extract_strided_slice %add3A_790 {offsets = [0, 512], sizes = [256, 512], strides = [1, 1]} : vector<256x1024xi16> to vector<256x512xi16>
    %add3A_793 = arith.addi %slice3A_791, %slice3A_792 : vector<256x512xi16>
    %slice3A_794 = vector.extract_strided_slice %add3A_793 {offsets = [0, 0], sizes = [256, 256], strides = [1, 1]} : vector<256x512xi16> to vector<256x256xi16>
    %slice3A_795 = vector.extract_strided_slice %add3A_793 {offsets = [0, 256], sizes = [256, 256], strides = [1, 1]} : vector<256x512xi16> to vector<256x256xi16>
    %add3A_796 = arith.addi %slice3A_794, %slice3A_795 : vector<256x256xi16>
    %slice3A_797 = vector.extract_strided_slice %add3A_796 {offsets = [0, 0], sizes = [256, 128], strides = [1, 1]} : vector<256x256xi16> to vector<256x128xi16>
    %slice3A_798 = vector.extract_strided_slice %add3A_796 {offsets = [0, 128], sizes = [256, 128], strides = [1, 1]} : vector<256x256xi16> to vector<256x128xi16>
    %add3A_799 = arith.addi %slice3A_797, %slice3A_798 : vector<256x128xi16>
    %convert_element_type3A_800 = arith.extsi %add3A_799 : vector<256x128xi16> to vector<256x128xi32>
    %reduce_sum3A_801 = arith.constant dense<0> : vector<256xi32>
    %reduce_sum3A_802 = vector.multi_reduction <add>, %convert_element_type3A_800, %reduce_sum3A_801 [1] : vector<256x128xi32> to vector<256xi32>
    %broadcast_in_dim3A_803 = vector.shape_cast %reduce_sum3A_802 : vector<256xi32> to vector<256x1xi32>
    %add3A_804 = arith.addi %broadcast_in_dim3A_565, %broadcast_in_dim3A_803 : vector<256x1xi32>
    %ge3A_805 = arith.constant 204 : i32
    %ge3A_806 = vector.broadcast %ge3A_805 : i32 to vector<256x1xi32>
    %ge3A_807 = arith.cmpi sge, %add3A_804, %ge3A_806 : vector<256x1xi32>
    %select_n3A_808 = arith.select %ge3A_807, %or3A_777, %select_n3A_774 : vector<256x1xi1>, vector<256x1xi32>
    %or3A_809 = arith.constant 256 : i32
    %or3A_810 = vector.broadcast %or3A_809 : i32 to vector<256x1xi32>
    %or3A_811 = arith.ori %select_n3A_808, %or3A_810 : vector<256x1xi32>
    %sub3A_812 = arith.constant 32768 : i32
    %sub3A_813 = vector.broadcast %sub3A_812 : i32 to vector<256x1xi32>
    %sub3A_814 = arith.subi %or3A_811, %sub3A_813 : vector<256x1xi32>
    %convert_element_type3A_815 = arith.trunci %sub3A_814 : vector<256x1xi32> to vector<256x1xi16>
    %ge3A_816 = vector.broadcast %convert_element_type3A_815 : vector<256x1xi16> to vector<256x4096xi16>
    %ge3A_817 = arith.cmpi sge, %select_n3A_568, %ge3A_816 : vector<256x4096xi16>
    %convert_element_type3A_818 = arith.extui %ge3A_817 : vector<256x4096xi1> to vector<256x4096xi16>
    %slice3A_819 = vector.extract_strided_slice %convert_element_type3A_818 {offsets = [0, 0], sizes = [256, 2048], strides = [1, 1]} : vector<256x4096xi16> to vector<256x2048xi16>
    %slice3A_820 = vector.extract_strided_slice %convert_element_type3A_818 {offsets = [0, 2048], sizes = [256, 2048], strides = [1, 1]} : vector<256x4096xi16> to vector<256x2048xi16>
    %add3A_821 = arith.addi %slice3A_819, %slice3A_820 : vector<256x2048xi16>
    %slice3A_822 = vector.extract_strided_slice %add3A_821 {offsets = [0, 0], sizes = [256, 1024], strides = [1, 1]} : vector<256x2048xi16> to vector<256x1024xi16>
    %slice3A_823 = vector.extract_strided_slice %add3A_821 {offsets = [0, 1024], sizes = [256, 1024], strides = [1, 1]} : vector<256x2048xi16> to vector<256x1024xi16>
    %add3A_824 = arith.addi %slice3A_822, %slice3A_823 : vector<256x1024xi16>
    %slice3A_825 = vector.extract_strided_slice %add3A_824 {offsets = [0, 0], sizes = [256, 512], strides = [1, 1]} : vector<256x1024xi16> to vector<256x512xi16>
    %slice3A_826 = vector.extract_strided_slice %add3A_824 {offsets = [0, 512], sizes = [256, 512], strides = [1, 1]} : vector<256x1024xi16> to vector<256x512xi16>
    %add3A_827 = arith.addi %slice3A_825, %slice3A_826 : vector<256x512xi16>
    %slice3A_828 = vector.extract_strided_slice %add3A_827 {offsets = [0, 0], sizes = [256, 256], strides = [1, 1]} : vector<256x512xi16> to vector<256x256xi16>
    %slice3A_829 = vector.extract_strided_slice %add3A_827 {offsets = [0, 256], sizes = [256, 256], strides = [1, 1]} : vector<256x512xi16> to vector<256x256xi16>
    %add3A_830 = arith.addi %slice3A_828, %slice3A_829 : vector<256x256xi16>
    %slice3A_831 = vector.extract_strided_slice %add3A_830 {offsets = [0, 0], sizes = [256, 128], strides = [1, 1]} : vector<256x256xi16> to vector<256x128xi16>
    %slice3A_832 = vector.extract_strided_slice %add3A_830 {offsets = [0, 128], sizes = [256, 128], strides = [1, 1]} : vector<256x256xi16> to vector<256x128xi16>
    %add3A_833 = arith.addi %slice3A_831, %slice3A_832 : vector<256x128xi16>
    %convert_element_type3A_834 = arith.extsi %add3A_833 : vector<256x128xi16> to vector<256x128xi32>
    %reduce_sum3A_835 = arith.constant dense<0> : vector<256xi32>
    %reduce_sum3A_836 = vector.multi_reduction <add>, %convert_element_type3A_834, %reduce_sum3A_835 [1] : vector<256x128xi32> to vector<256xi32>
    %broadcast_in_dim3A_837 = vector.shape_cast %reduce_sum3A_836 : vector<256xi32> to vector<256x1xi32>
    %add3A_838 = arith.addi %broadcast_in_dim3A_565, %broadcast_in_dim3A_837 : vector<256x1xi32>
    %ge3A_839 = arith.constant 204 : i32
    %ge3A_840 = vector.broadcast %ge3A_839 : i32 to vector<256x1xi32>
    %ge3A_841 = arith.cmpi sge, %add3A_838, %ge3A_840 : vector<256x1xi32>
    %select_n3A_842 = arith.select %ge3A_841, %or3A_811, %select_n3A_808 : vector<256x1xi1>, vector<256x1xi32>
    %or3A_843 = arith.constant 128 : i32
    %or3A_844 = vector.broadcast %or3A_843 : i32 to vector<256x1xi32>
    %or3A_845 = arith.ori %select_n3A_842, %or3A_844 : vector<256x1xi32>
    %sub3A_846 = arith.constant 32768 : i32
    %sub3A_847 = vector.broadcast %sub3A_846 : i32 to vector<256x1xi32>
    %sub3A_848 = arith.subi %or3A_845, %sub3A_847 : vector<256x1xi32>
    %convert_element_type3A_849 = arith.trunci %sub3A_848 : vector<256x1xi32> to vector<256x1xi16>
    %ge3A_850 = vector.broadcast %convert_element_type3A_849 : vector<256x1xi16> to vector<256x4096xi16>
    %ge3A_851 = arith.cmpi sge, %select_n3A_568, %ge3A_850 : vector<256x4096xi16>
    %convert_element_type3A_852 = arith.extui %ge3A_851 : vector<256x4096xi1> to vector<256x4096xi16>
    %slice3A_853 = vector.extract_strided_slice %convert_element_type3A_852 {offsets = [0, 0], sizes = [256, 2048], strides = [1, 1]} : vector<256x4096xi16> to vector<256x2048xi16>
    %slice3A_854 = vector.extract_strided_slice %convert_element_type3A_852 {offsets = [0, 2048], sizes = [256, 2048], strides = [1, 1]} : vector<256x4096xi16> to vector<256x2048xi16>
    %add3A_855 = arith.addi %slice3A_853, %slice3A_854 : vector<256x2048xi16>
    %slice3A_856 = vector.extract_strided_slice %add3A_855 {offsets = [0, 0], sizes = [256, 1024], strides = [1, 1]} : vector<256x2048xi16> to vector<256x1024xi16>
    %slice3A_857 = vector.extract_strided_slice %add3A_855 {offsets = [0, 1024], sizes = [256, 1024], strides = [1, 1]} : vector<256x2048xi16> to vector<256x1024xi16>
    %add3A_858 = arith.addi %slice3A_856, %slice3A_857 : vector<256x1024xi16>
    %slice3A_859 = vector.extract_strided_slice %add3A_858 {offsets = [0, 0], sizes = [256, 512], strides = [1, 1]} : vector<256x1024xi16> to vector<256x512xi16>
    %slice3A_860 = vector.extract_strided_slice %add3A_858 {offsets = [0, 512], sizes = [256, 512], strides = [1, 1]} : vector<256x1024xi16> to vector<256x512xi16>
    %add3A_861 = arith.addi %slice3A_859, %slice3A_860 : vector<256x512xi16>
    %slice3A_862 = vector.extract_strided_slice %add3A_861 {offsets = [0, 0], sizes = [256, 256], strides = [1, 1]} : vector<256x512xi16> to vector<256x256xi16>
    %slice3A_863 = vector.extract_strided_slice %add3A_861 {offsets = [0, 256], sizes = [256, 256], strides = [1, 1]} : vector<256x512xi16> to vector<256x256xi16>
    %add3A_864 = arith.addi %slice3A_862, %slice3A_863 : vector<256x256xi16>
    %slice3A_865 = vector.extract_strided_slice %add3A_864 {offsets = [0, 0], sizes = [256, 128], strides = [1, 1]} : vector<256x256xi16> to vector<256x128xi16>
    %slice3A_866 = vector.extract_strided_slice %add3A_864 {offsets = [0, 128], sizes = [256, 128], strides = [1, 1]} : vector<256x256xi16> to vector<256x128xi16>
    %add3A_867 = arith.addi %slice3A_865, %slice3A_866 : vector<256x128xi16>
    %convert_element_type3A_868 = arith.extsi %add3A_867 : vector<256x128xi16> to vector<256x128xi32>
    %reduce_sum3A_869 = arith.constant dense<0> : vector<256xi32>
    %reduce_sum3A_870 = vector.multi_reduction <add>, %convert_element_type3A_868, %reduce_sum3A_869 [1] : vector<256x128xi32> to vector<256xi32>
    %broadcast_in_dim3A_871 = vector.shape_cast %reduce_sum3A_870 : vector<256xi32> to vector<256x1xi32>
    %add3A_872 = arith.addi %broadcast_in_dim3A_565, %broadcast_in_dim3A_871 : vector<256x1xi32>
    %ge3A_873 = arith.constant 204 : i32
    %ge3A_874 = vector.broadcast %ge3A_873 : i32 to vector<256x1xi32>
    %ge3A_875 = arith.cmpi sge, %add3A_872, %ge3A_874 : vector<256x1xi32>
    %select_n3A_876 = arith.select %ge3A_875, %or3A_845, %select_n3A_842 : vector<256x1xi1>, vector<256x1xi32>
    %or3A_877 = arith.constant 64 : i32
    %or3A_878 = vector.broadcast %or3A_877 : i32 to vector<256x1xi32>
    %or3A_879 = arith.ori %select_n3A_876, %or3A_878 : vector<256x1xi32>
    %sub3A_880 = arith.constant 32768 : i32
    %sub3A_881 = vector.broadcast %sub3A_880 : i32 to vector<256x1xi32>
    %sub3A_882 = arith.subi %or3A_879, %sub3A_881 : vector<256x1xi32>
    %convert_element_type3A_883 = arith.trunci %sub3A_882 : vector<256x1xi32> to vector<256x1xi16>
    %ge3A_884 = vector.broadcast %convert_element_type3A_883 : vector<256x1xi16> to vector<256x4096xi16>
    %ge3A_885 = arith.cmpi sge, %select_n3A_568, %ge3A_884 : vector<256x4096xi16>
    %convert_element_type3A_886 = arith.extui %ge3A_885 : vector<256x4096xi1> to vector<256x4096xi16>
    %slice3A_887 = vector.extract_strided_slice %convert_element_type3A_886 {offsets = [0, 0], sizes = [256, 2048], strides = [1, 1]} : vector<256x4096xi16> to vector<256x2048xi16>
    %slice3A_888 = vector.extract_strided_slice %convert_element_type3A_886 {offsets = [0, 2048], sizes = [256, 2048], strides = [1, 1]} : vector<256x4096xi16> to vector<256x2048xi16>
    %add3A_889 = arith.addi %slice3A_887, %slice3A_888 : vector<256x2048xi16>
    %slice3A_890 = vector.extract_strided_slice %add3A_889 {offsets = [0, 0], sizes = [256, 1024], strides = [1, 1]} : vector<256x2048xi16> to vector<256x1024xi16>
    %slice3A_891 = vector.extract_strided_slice %add3A_889 {offsets = [0, 1024], sizes = [256, 1024], strides = [1, 1]} : vector<256x2048xi16> to vector<256x1024xi16>
    %add3A_892 = arith.addi %slice3A_890, %slice3A_891 : vector<256x1024xi16>
    %slice3A_893 = vector.extract_strided_slice %add3A_892 {offsets = [0, 0], sizes = [256, 512], strides = [1, 1]} : vector<256x1024xi16> to vector<256x512xi16>
    %slice3A_894 = vector.extract_strided_slice %add3A_892 {offsets = [0, 512], sizes = [256, 512], strides = [1, 1]} : vector<256x1024xi16> to vector<256x512xi16>
    %add3A_895 = arith.addi %slice3A_893, %slice3A_894 : vector<256x512xi16>
    %slice3A_896 = vector.extract_strided_slice %add3A_895 {offsets = [0, 0], sizes = [256, 256], strides = [1, 1]} : vector<256x512xi16> to vector<256x256xi16>
    %slice3A_897 = vector.extract_strided_slice %add3A_895 {offsets = [0, 256], sizes = [256, 256], strides = [1, 1]} : vector<256x512xi16> to vector<256x256xi16>
    %add3A_898 = arith.addi %slice3A_896, %slice3A_897 : vector<256x256xi16>
    %slice3A_899 = vector.extract_strided_slice %add3A_898 {offsets = [0, 0], sizes = [256, 128], strides = [1, 1]} : vector<256x256xi16> to vector<256x128xi16>
    %slice3A_900 = vector.extract_strided_slice %add3A_898 {offsets = [0, 128], sizes = [256, 128], strides = [1, 1]} : vector<256x256xi16> to vector<256x128xi16>
    %add3A_901 = arith.addi %slice3A_899, %slice3A_900 : vector<256x128xi16>
    %convert_element_type3A_902 = arith.extsi %add3A_901 : vector<256x128xi16> to vector<256x128xi32>
    %reduce_sum3A_903 = arith.constant dense<0> : vector<256xi32>
    %reduce_sum3A_904 = vector.multi_reduction <add>, %convert_element_type3A_902, %reduce_sum3A_903 [1] : vector<256x128xi32> to vector<256xi32>
    %broadcast_in_dim3A_905 = vector.shape_cast %reduce_sum3A_904 : vector<256xi32> to vector<256x1xi32>
    %add3A_906 = arith.addi %broadcast_in_dim3A_565, %broadcast_in_dim3A_905 : vector<256x1xi32>
    %ge3A_907 = arith.constant 204 : i32
    %ge3A_908 = vector.broadcast %ge3A_907 : i32 to vector<256x1xi32>
    %ge3A_909 = arith.cmpi sge, %add3A_906, %ge3A_908 : vector<256x1xi32>
    %select_n3A_910 = arith.select %ge3A_909, %or3A_879, %select_n3A_876 : vector<256x1xi1>, vector<256x1xi32>
    %or3A_911 = arith.constant 32 : i32
    %or3A_912 = vector.broadcast %or3A_911 : i32 to vector<256x1xi32>
    %or3A_913 = arith.ori %select_n3A_910, %or3A_912 : vector<256x1xi32>
    %sub3A_914 = arith.constant 32768 : i32
    %sub3A_915 = vector.broadcast %sub3A_914 : i32 to vector<256x1xi32>
    %sub3A_916 = arith.subi %or3A_913, %sub3A_915 : vector<256x1xi32>
    %convert_element_type3A_917 = arith.trunci %sub3A_916 : vector<256x1xi32> to vector<256x1xi16>
    %ge3A_918 = vector.broadcast %convert_element_type3A_917 : vector<256x1xi16> to vector<256x4096xi16>
    %ge3A_919 = arith.cmpi sge, %select_n3A_568, %ge3A_918 : vector<256x4096xi16>
    %convert_element_type3A_920 = arith.extui %ge3A_919 : vector<256x4096xi1> to vector<256x4096xi16>
    %slice3A_921 = vector.extract_strided_slice %convert_element_type3A_920 {offsets = [0, 0], sizes = [256, 2048], strides = [1, 1]} : vector<256x4096xi16> to vector<256x2048xi16>
    %slice3A_922 = vector.extract_strided_slice %convert_element_type3A_920 {offsets = [0, 2048], sizes = [256, 2048], strides = [1, 1]} : vector<256x4096xi16> to vector<256x2048xi16>
    %add3A_923 = arith.addi %slice3A_921, %slice3A_922 : vector<256x2048xi16>
    %slice3A_924 = vector.extract_strided_slice %add3A_923 {offsets = [0, 0], sizes = [256, 1024], strides = [1, 1]} : vector<256x2048xi16> to vector<256x1024xi16>
    %slice3A_925 = vector.extract_strided_slice %add3A_923 {offsets = [0, 1024], sizes = [256, 1024], strides = [1, 1]} : vector<256x2048xi16> to vector<256x1024xi16>
    %add3A_926 = arith.addi %slice3A_924, %slice3A_925 : vector<256x1024xi16>
    %slice3A_927 = vector.extract_strided_slice %add3A_926 {offsets = [0, 0], sizes = [256, 512], strides = [1, 1]} : vector<256x1024xi16> to vector<256x512xi16>
    %slice3A_928 = vector.extract_strided_slice %add3A_926 {offsets = [0, 512], sizes = [256, 512], strides = [1, 1]} : vector<256x1024xi16> to vector<256x512xi16>
    %add3A_929 = arith.addi %slice3A_927, %slice3A_928 : vector<256x512xi16>
    %slice3A_930 = vector.extract_strided_slice %add3A_929 {offsets = [0, 0], sizes = [256, 256], strides = [1, 1]} : vector<256x512xi16> to vector<256x256xi16>
    %slice3A_931 = vector.extract_strided_slice %add3A_929 {offsets = [0, 256], sizes = [256, 256], strides = [1, 1]} : vector<256x512xi16> to vector<256x256xi16>
    %add3A_932 = arith.addi %slice3A_930, %slice3A_931 : vector<256x256xi16>
    %slice3A_933 = vector.extract_strided_slice %add3A_932 {offsets = [0, 0], sizes = [256, 128], strides = [1, 1]} : vector<256x256xi16> to vector<256x128xi16>
    %slice3A_934 = vector.extract_strided_slice %add3A_932 {offsets = [0, 128], sizes = [256, 128], strides = [1, 1]} : vector<256x256xi16> to vector<256x128xi16>
    %add3A_935 = arith.addi %slice3A_933, %slice3A_934 : vector<256x128xi16>
    %convert_element_type3A_936 = arith.extsi %add3A_935 : vector<256x128xi16> to vector<256x128xi32>
    %reduce_sum3A_937 = arith.constant dense<0> : vector<256xi32>
    %reduce_sum3A_938 = vector.multi_reduction <add>, %convert_element_type3A_936, %reduce_sum3A_937 [1] : vector<256x128xi32> to vector<256xi32>
    %broadcast_in_dim3A_939 = vector.shape_cast %reduce_sum3A_938 : vector<256xi32> to vector<256x1xi32>
    %add3A_940 = arith.addi %broadcast_in_dim3A_565, %broadcast_in_dim3A_939 : vector<256x1xi32>
    %ge3A_941 = arith.constant 204 : i32
    %ge3A_942 = vector.broadcast %ge3A_941 : i32 to vector<256x1xi32>
    %ge3A_943 = arith.cmpi sge, %add3A_940, %ge3A_942 : vector<256x1xi32>
    %select_n3A_944 = arith.select %ge3A_943, %or3A_913, %select_n3A_910 : vector<256x1xi1>, vector<256x1xi32>
    %or3A_945 = arith.constant 16 : i32
    %or3A_946 = vector.broadcast %or3A_945 : i32 to vector<256x1xi32>
    %or3A_947 = arith.ori %select_n3A_944, %or3A_946 : vector<256x1xi32>
    %sub3A_948 = arith.constant 32768 : i32
    %sub3A_949 = vector.broadcast %sub3A_948 : i32 to vector<256x1xi32>
    %sub3A_950 = arith.subi %or3A_947, %sub3A_949 : vector<256x1xi32>
    %convert_element_type3A_951 = arith.trunci %sub3A_950 : vector<256x1xi32> to vector<256x1xi16>
    %ge3A_952 = vector.broadcast %convert_element_type3A_951 : vector<256x1xi16> to vector<256x4096xi16>
    %ge3A_953 = arith.cmpi sge, %select_n3A_568, %ge3A_952 : vector<256x4096xi16>
    %convert_element_type3A_954 = arith.extui %ge3A_953 : vector<256x4096xi1> to vector<256x4096xi16>
    %slice3A_955 = vector.extract_strided_slice %convert_element_type3A_954 {offsets = [0, 0], sizes = [256, 2048], strides = [1, 1]} : vector<256x4096xi16> to vector<256x2048xi16>
    %slice3A_956 = vector.extract_strided_slice %convert_element_type3A_954 {offsets = [0, 2048], sizes = [256, 2048], strides = [1, 1]} : vector<256x4096xi16> to vector<256x2048xi16>
    %add3A_957 = arith.addi %slice3A_955, %slice3A_956 : vector<256x2048xi16>
    %slice3A_958 = vector.extract_strided_slice %add3A_957 {offsets = [0, 0], sizes = [256, 1024], strides = [1, 1]} : vector<256x2048xi16> to vector<256x1024xi16>
    %slice3A_959 = vector.extract_strided_slice %add3A_957 {offsets = [0, 1024], sizes = [256, 1024], strides = [1, 1]} : vector<256x2048xi16> to vector<256x1024xi16>
    %add3A_960 = arith.addi %slice3A_958, %slice3A_959 : vector<256x1024xi16>
    %slice3A_961 = vector.extract_strided_slice %add3A_960 {offsets = [0, 0], sizes = [256, 512], strides = [1, 1]} : vector<256x1024xi16> to vector<256x512xi16>
    %slice3A_962 = vector.extract_strided_slice %add3A_960 {offsets = [0, 512], sizes = [256, 512], strides = [1, 1]} : vector<256x1024xi16> to vector<256x512xi16>
    %add3A_963 = arith.addi %slice3A_961, %slice3A_962 : vector<256x512xi16>
    %slice3A_964 = vector.extract_strided_slice %add3A_963 {offsets = [0, 0], sizes = [256, 256], strides = [1, 1]} : vector<256x512xi16> to vector<256x256xi16>
    %slice3A_965 = vector.extract_strided_slice %add3A_963 {offsets = [0, 256], sizes = [256, 256], strides = [1, 1]} : vector<256x512xi16> to vector<256x256xi16>
    %add3A_966 = arith.addi %slice3A_964, %slice3A_965 : vector<256x256xi16>
    %slice3A_967 = vector.extract_strided_slice %add3A_966 {offsets = [0, 0], sizes = [256, 128], strides = [1, 1]} : vector<256x256xi16> to vector<256x128xi16>
    %slice3A_968 = vector.extract_strided_slice %add3A_966 {offsets = [0, 128], sizes = [256, 128], strides = [1, 1]} : vector<256x256xi16> to vector<256x128xi16>
    %add3A_969 = arith.addi %slice3A_967, %slice3A_968 : vector<256x128xi16>
    %convert_element_type3A_970 = arith.extsi %add3A_969 : vector<256x128xi16> to vector<256x128xi32>
    %reduce_sum3A_971 = arith.constant dense<0> : vector<256xi32>
    %reduce_sum3A_972 = vector.multi_reduction <add>, %convert_element_type3A_970, %reduce_sum3A_971 [1] : vector<256x128xi32> to vector<256xi32>
    %broadcast_in_dim3A_973 = vector.shape_cast %reduce_sum3A_972 : vector<256xi32> to vector<256x1xi32>
    %add3A_974 = arith.addi %broadcast_in_dim3A_565, %broadcast_in_dim3A_973 : vector<256x1xi32>
    %ge3A_975 = arith.constant 204 : i32
    %ge3A_976 = vector.broadcast %ge3A_975 : i32 to vector<256x1xi32>
    %ge3A_977 = arith.cmpi sge, %add3A_974, %ge3A_976 : vector<256x1xi32>
    %select_n3A_978 = arith.select %ge3A_977, %or3A_947, %select_n3A_944 : vector<256x1xi1>, vector<256x1xi32>
    %or3A_979 = arith.constant 8 : i32
    %or3A_980 = vector.broadcast %or3A_979 : i32 to vector<256x1xi32>
    %or3A_981 = arith.ori %select_n3A_978, %or3A_980 : vector<256x1xi32>
    %sub3A_982 = arith.constant 32768 : i32
    %sub3A_983 = vector.broadcast %sub3A_982 : i32 to vector<256x1xi32>
    %sub3A_984 = arith.subi %or3A_981, %sub3A_983 : vector<256x1xi32>
    %convert_element_type3A_985 = arith.trunci %sub3A_984 : vector<256x1xi32> to vector<256x1xi16>
    %ge3A_986 = vector.broadcast %convert_element_type3A_985 : vector<256x1xi16> to vector<256x4096xi16>
    %ge3A_987 = arith.cmpi sge, %select_n3A_568, %ge3A_986 : vector<256x4096xi16>
    %convert_element_type3A_988 = arith.extui %ge3A_987 : vector<256x4096xi1> to vector<256x4096xi16>
    %slice3A_989 = vector.extract_strided_slice %convert_element_type3A_988 {offsets = [0, 0], sizes = [256, 2048], strides = [1, 1]} : vector<256x4096xi16> to vector<256x2048xi16>
    %slice3A_990 = vector.extract_strided_slice %convert_element_type3A_988 {offsets = [0, 2048], sizes = [256, 2048], strides = [1, 1]} : vector<256x4096xi16> to vector<256x2048xi16>
    %add3A_991 = arith.addi %slice3A_989, %slice3A_990 : vector<256x2048xi16>
    %slice3A_992 = vector.extract_strided_slice %add3A_991 {offsets = [0, 0], sizes = [256, 1024], strides = [1, 1]} : vector<256x2048xi16> to vector<256x1024xi16>
    %slice3A_993 = vector.extract_strided_slice %add3A_991 {offsets = [0, 1024], sizes = [256, 1024], strides = [1, 1]} : vector<256x2048xi16> to vector<256x1024xi16>
    %add3A_994 = arith.addi %slice3A_992, %slice3A_993 : vector<256x1024xi16>
    %slice3A_995 = vector.extract_strided_slice %add3A_994 {offsets = [0, 0], sizes = [256, 512], strides = [1, 1]} : vector<256x1024xi16> to vector<256x512xi16>
    %slice3A_996 = vector.extract_strided_slice %add3A_994 {offsets = [0, 512], sizes = [256, 512], strides = [1, 1]} : vector<256x1024xi16> to vector<256x512xi16>
    %add3A_997 = arith.addi %slice3A_995, %slice3A_996 : vector<256x512xi16>
    %slice3A_998 = vector.extract_strided_slice %add3A_997 {offsets = [0, 0], sizes = [256, 256], strides = [1, 1]} : vector<256x512xi16> to vector<256x256xi16>
    %slice3A_999 = vector.extract_strided_slice %add3A_997 {offsets = [0, 256], sizes = [256, 256], strides = [1, 1]} : vector<256x512xi16> to vector<256x256xi16>
    %add3A_1000 = arith.addi %slice3A_998, %slice3A_999 : vector<256x256xi16>
    %slice3A_1001 = vector.extract_strided_slice %add3A_1000 {offsets = [0, 0], sizes = [256, 128], strides = [1, 1]} : vector<256x256xi16> to vector<256x128xi16>
    %slice3A_1002 = vector.extract_strided_slice %add3A_1000 {offsets = [0, 128], sizes = [256, 128], strides = [1, 1]} : vector<256x256xi16> to vector<256x128xi16>
    %add3A_1003 = arith.addi %slice3A_1001, %slice3A_1002 : vector<256x128xi16>
    %convert_element_type3A_1004 = arith.extsi %add3A_1003 : vector<256x128xi16> to vector<256x128xi32>
    %reduce_sum3A_1005 = arith.constant dense<0> : vector<256xi32>
    %reduce_sum3A_1006 = vector.multi_reduction <add>, %convert_element_type3A_1004, %reduce_sum3A_1005 [1] : vector<256x128xi32> to vector<256xi32>
    %broadcast_in_dim3A_1007 = vector.shape_cast %reduce_sum3A_1006 : vector<256xi32> to vector<256x1xi32>
    %add3A_1008 = arith.addi %broadcast_in_dim3A_565, %broadcast_in_dim3A_1007 : vector<256x1xi32>
    %ge3A_1009 = arith.constant 204 : i32
    %ge3A_1010 = vector.broadcast %ge3A_1009 : i32 to vector<256x1xi32>
    %ge3A_1011 = arith.cmpi sge, %add3A_1008, %ge3A_1010 : vector<256x1xi32>
    %select_n3A_1012 = arith.select %ge3A_1011, %or3A_981, %select_n3A_978 : vector<256x1xi1>, vector<256x1xi32>
    %or3A_1013 = arith.constant 4 : i32
    %or3A_1014 = vector.broadcast %or3A_1013 : i32 to vector<256x1xi32>
    %or3A_1015 = arith.ori %select_n3A_1012, %or3A_1014 : vector<256x1xi32>
    %sub3A_1016 = arith.constant 32768 : i32
    %sub3A_1017 = vector.broadcast %sub3A_1016 : i32 to vector<256x1xi32>
    %sub3A_1018 = arith.subi %or3A_1015, %sub3A_1017 : vector<256x1xi32>
    %convert_element_type3A_1019 = arith.trunci %sub3A_1018 : vector<256x1xi32> to vector<256x1xi16>
    %ge3A_1020 = vector.broadcast %convert_element_type3A_1019 : vector<256x1xi16> to vector<256x4096xi16>
    %ge3A_1021 = arith.cmpi sge, %select_n3A_568, %ge3A_1020 : vector<256x4096xi16>
    %convert_element_type3A_1022 = arith.extui %ge3A_1021 : vector<256x4096xi1> to vector<256x4096xi16>
    %slice3A_1023 = vector.extract_strided_slice %convert_element_type3A_1022 {offsets = [0, 0], sizes = [256, 2048], strides = [1, 1]} : vector<256x4096xi16> to vector<256x2048xi16>
    %slice3A_1024 = vector.extract_strided_slice %convert_element_type3A_1022 {offsets = [0, 2048], sizes = [256, 2048], strides = [1, 1]} : vector<256x4096xi16> to vector<256x2048xi16>
    %add3A_1025 = arith.addi %slice3A_1023, %slice3A_1024 : vector<256x2048xi16>
    %slice3A_1026 = vector.extract_strided_slice %add3A_1025 {offsets = [0, 0], sizes = [256, 1024], strides = [1, 1]} : vector<256x2048xi16> to vector<256x1024xi16>
    %slice3A_1027 = vector.extract_strided_slice %add3A_1025 {offsets = [0, 1024], sizes = [256, 1024], strides = [1, 1]} : vector<256x2048xi16> to vector<256x1024xi16>
    %add3A_1028 = arith.addi %slice3A_1026, %slice3A_1027 : vector<256x1024xi16>
    %slice3A_1029 = vector.extract_strided_slice %add3A_1028 {offsets = [0, 0], sizes = [256, 512], strides = [1, 1]} : vector<256x1024xi16> to vector<256x512xi16>
    %slice3A_1030 = vector.extract_strided_slice %add3A_1028 {offsets = [0, 512], sizes = [256, 512], strides = [1, 1]} : vector<256x1024xi16> to vector<256x512xi16>
    %add3A_1031 = arith.addi %slice3A_1029, %slice3A_1030 : vector<256x512xi16>
    %slice3A_1032 = vector.extract_strided_slice %add3A_1031 {offsets = [0, 0], sizes = [256, 256], strides = [1, 1]} : vector<256x512xi16> to vector<256x256xi16>
    %slice3A_1033 = vector.extract_strided_slice %add3A_1031 {offsets = [0, 256], sizes = [256, 256], strides = [1, 1]} : vector<256x512xi16> to vector<256x256xi16>
    %add3A_1034 = arith.addi %slice3A_1032, %slice3A_1033 : vector<256x256xi16>
    %slice3A_1035 = vector.extract_strided_slice %add3A_1034 {offsets = [0, 0], sizes = [256, 128], strides = [1, 1]} : vector<256x256xi16> to vector<256x128xi16>
    %slice3A_1036 = vector.extract_strided_slice %add3A_1034 {offsets = [0, 128], sizes = [256, 128], strides = [1, 1]} : vector<256x256xi16> to vector<256x128xi16>
    %add3A_1037 = arith.addi %slice3A_1035, %slice3A_1036 : vector<256x128xi16>
    %convert_element_type3A_1038 = arith.extsi %add3A_1037 : vector<256x128xi16> to vector<256x128xi32>
    %reduce_sum3A_1039 = arith.constant dense<0> : vector<256xi32>
    %reduce_sum3A_1040 = vector.multi_reduction <add>, %convert_element_type3A_1038, %reduce_sum3A_1039 [1] : vector<256x128xi32> to vector<256xi32>
    %broadcast_in_dim3A_1041 = vector.shape_cast %reduce_sum3A_1040 : vector<256xi32> to vector<256x1xi32>
    %add3A_1042 = arith.addi %broadcast_in_dim3A_565, %broadcast_in_dim3A_1041 : vector<256x1xi32>
    %ge3A_1043 = arith.constant 204 : i32
    %ge3A_1044 = vector.broadcast %ge3A_1043 : i32 to vector<256x1xi32>
    %ge3A_1045 = arith.cmpi sge, %add3A_1042, %ge3A_1044 : vector<256x1xi32>
    %select_n3A_1046 = arith.select %ge3A_1045, %or3A_1015, %select_n3A_1012 : vector<256x1xi1>, vector<256x1xi32>
    %or3A_1047 = arith.constant 2 : i32
    %or3A_1048 = vector.broadcast %or3A_1047 : i32 to vector<256x1xi32>
    %or3A_1049 = arith.ori %select_n3A_1046, %or3A_1048 : vector<256x1xi32>
    %sub3A_1050 = arith.constant 32768 : i32
    %sub3A_1051 = vector.broadcast %sub3A_1050 : i32 to vector<256x1xi32>
    %sub3A_1052 = arith.subi %or3A_1049, %sub3A_1051 : vector<256x1xi32>
    %convert_element_type3A_1053 = arith.trunci %sub3A_1052 : vector<256x1xi32> to vector<256x1xi16>
    %ge3A_1054 = vector.broadcast %convert_element_type3A_1053 : vector<256x1xi16> to vector<256x4096xi16>
    %ge3A_1055 = arith.cmpi sge, %select_n3A_568, %ge3A_1054 : vector<256x4096xi16>
    %convert_element_type3A_1056 = arith.extui %ge3A_1055 : vector<256x4096xi1> to vector<256x4096xi16>
    %slice3A_1057 = vector.extract_strided_slice %convert_element_type3A_1056 {offsets = [0, 0], sizes = [256, 2048], strides = [1, 1]} : vector<256x4096xi16> to vector<256x2048xi16>
    %slice3A_1058 = vector.extract_strided_slice %convert_element_type3A_1056 {offsets = [0, 2048], sizes = [256, 2048], strides = [1, 1]} : vector<256x4096xi16> to vector<256x2048xi16>
    %add3A_1059 = arith.addi %slice3A_1057, %slice3A_1058 : vector<256x2048xi16>
    %slice3A_1060 = vector.extract_strided_slice %add3A_1059 {offsets = [0, 0], sizes = [256, 1024], strides = [1, 1]} : vector<256x2048xi16> to vector<256x1024xi16>
    %slice3A_1061 = vector.extract_strided_slice %add3A_1059 {offsets = [0, 1024], sizes = [256, 1024], strides = [1, 1]} : vector<256x2048xi16> to vector<256x1024xi16>
    %add3A_1062 = arith.addi %slice3A_1060, %slice3A_1061 : vector<256x1024xi16>
    %slice3A_1063 = vector.extract_strided_slice %add3A_1062 {offsets = [0, 0], sizes = [256, 512], strides = [1, 1]} : vector<256x1024xi16> to vector<256x512xi16>
    %slice3A_1064 = vector.extract_strided_slice %add3A_1062 {offsets = [0, 512], sizes = [256, 512], strides = [1, 1]} : vector<256x1024xi16> to vector<256x512xi16>
    %add3A_1065 = arith.addi %slice3A_1063, %slice3A_1064 : vector<256x512xi16>
    %slice3A_1066 = vector.extract_strided_slice %add3A_1065 {offsets = [0, 0], sizes = [256, 256], strides = [1, 1]} : vector<256x512xi16> to vector<256x256xi16>
    %slice3A_1067 = vector.extract_strided_slice %add3A_1065 {offsets = [0, 256], sizes = [256, 256], strides = [1, 1]} : vector<256x512xi16> to vector<256x256xi16>
    %add3A_1068 = arith.addi %slice3A_1066, %slice3A_1067 : vector<256x256xi16>
    %slice3A_1069 = vector.extract_strided_slice %add3A_1068 {offsets = [0, 0], sizes = [256, 128], strides = [1, 1]} : vector<256x256xi16> to vector<256x128xi16>
    %slice3A_1070 = vector.extract_strided_slice %add3A_1068 {offsets = [0, 128], sizes = [256, 128], strides = [1, 1]} : vector<256x256xi16> to vector<256x128xi16>
    %add3A_1071 = arith.addi %slice3A_1069, %slice3A_1070 : vector<256x128xi16>
    %convert_element_type3A_1072 = arith.extsi %add3A_1071 : vector<256x128xi16> to vector<256x128xi32>
    %reduce_sum3A_1073 = arith.constant dense<0> : vector<256xi32>
    %reduce_sum3A_1074 = vector.multi_reduction <add>, %convert_element_type3A_1072, %reduce_sum3A_1073 [1] : vector<256x128xi32> to vector<256xi32>
    %broadcast_in_dim3A_1075 = vector.shape_cast %reduce_sum3A_1074 : vector<256xi32> to vector<256x1xi32>
    %add3A_1076 = arith.addi %broadcast_in_dim3A_565, %broadcast_in_dim3A_1075 : vector<256x1xi32>
    %ge3A_1077 = arith.constant 204 : i32
    %ge3A_1078 = vector.broadcast %ge3A_1077 : i32 to vector<256x1xi32>
    %ge3A_1079 = arith.cmpi sge, %add3A_1076, %ge3A_1078 : vector<256x1xi32>
    %select_n3A_1080 = arith.select %ge3A_1079, %or3A_1049, %select_n3A_1046 : vector<256x1xi1>, vector<256x1xi32>
    %or3A_1081 = arith.constant 1 : i32
    %or3A_1082 = vector.broadcast %or3A_1081 : i32 to vector<256x1xi32>
    %or3A_1083 = arith.ori %select_n3A_1080, %or3A_1082 : vector<256x1xi32>
    %sub3A_1084 = arith.constant 32768 : i32
    %sub3A_1085 = vector.broadcast %sub3A_1084 : i32 to vector<256x1xi32>
    %sub3A_1086 = arith.subi %or3A_1083, %sub3A_1085 : vector<256x1xi32>
    %convert_element_type3A_1087 = arith.trunci %sub3A_1086 : vector<256x1xi32> to vector<256x1xi16>
    %ge3A_1088 = vector.broadcast %convert_element_type3A_1087 : vector<256x1xi16> to vector<256x4096xi16>
    %ge3A_1089 = arith.cmpi sge, %select_n3A_568, %ge3A_1088 : vector<256x4096xi16>
    %convert_element_type3A_1090 = arith.extui %ge3A_1089 : vector<256x4096xi1> to vector<256x4096xi16>
    %slice3A_1091 = vector.extract_strided_slice %convert_element_type3A_1090 {offsets = [0, 0], sizes = [256, 2048], strides = [1, 1]} : vector<256x4096xi16> to vector<256x2048xi16>
    %slice3A_1092 = vector.extract_strided_slice %convert_element_type3A_1090 {offsets = [0, 2048], sizes = [256, 2048], strides = [1, 1]} : vector<256x4096xi16> to vector<256x2048xi16>
    %add3A_1093 = arith.addi %slice3A_1091, %slice3A_1092 : vector<256x2048xi16>
    %slice3A_1094 = vector.extract_strided_slice %add3A_1093 {offsets = [0, 0], sizes = [256, 1024], strides = [1, 1]} : vector<256x2048xi16> to vector<256x1024xi16>
    %slice3A_1095 = vector.extract_strided_slice %add3A_1093 {offsets = [0, 1024], sizes = [256, 1024], strides = [1, 1]} : vector<256x2048xi16> to vector<256x1024xi16>
    %add3A_1096 = arith.addi %slice3A_1094, %slice3A_1095 : vector<256x1024xi16>
    %slice3A_1097 = vector.extract_strided_slice %add3A_1096 {offsets = [0, 0], sizes = [256, 512], strides = [1, 1]} : vector<256x1024xi16> to vector<256x512xi16>
    %slice3A_1098 = vector.extract_strided_slice %add3A_1096 {offsets = [0, 512], sizes = [256, 512], strides = [1, 1]} : vector<256x1024xi16> to vector<256x512xi16>
    %add3A_1099 = arith.addi %slice3A_1097, %slice3A_1098 : vector<256x512xi16>
    %slice3A_1100 = vector.extract_strided_slice %add3A_1099 {offsets = [0, 0], sizes = [256, 256], strides = [1, 1]} : vector<256x512xi16> to vector<256x256xi16>
    %slice3A_1101 = vector.extract_strided_slice %add3A_1099 {offsets = [0, 256], sizes = [256, 256], strides = [1, 1]} : vector<256x512xi16> to vector<256x256xi16>
    %add3A_1102 = arith.addi %slice3A_1100, %slice3A_1101 : vector<256x256xi16>
    %slice3A_1103 = vector.extract_strided_slice %add3A_1102 {offsets = [0, 0], sizes = [256, 128], strides = [1, 1]} : vector<256x256xi16> to vector<256x128xi16>
    %slice3A_1104 = vector.extract_strided_slice %add3A_1102 {offsets = [0, 128], sizes = [256, 128], strides = [1, 1]} : vector<256x256xi16> to vector<256x128xi16>
    %add3A_1105 = arith.addi %slice3A_1103, %slice3A_1104 : vector<256x128xi16>
    %convert_element_type3A_1106 = arith.extsi %add3A_1105 : vector<256x128xi16> to vector<256x128xi32>
    %reduce_sum3A_1107 = arith.constant dense<0> : vector<256xi32>
    %reduce_sum3A_1108 = vector.multi_reduction <add>, %convert_element_type3A_1106, %reduce_sum3A_1107 [1] : vector<256x128xi32> to vector<256xi32>
    %broadcast_in_dim3A_1109 = vector.shape_cast %reduce_sum3A_1108 : vector<256xi32> to vector<256x1xi32>
    %add3A_1110 = arith.addi %broadcast_in_dim3A_565, %broadcast_in_dim3A_1109 : vector<256x1xi32>
    %ge3A_1111 = arith.constant 204 : i32
    %ge3A_1112 = vector.broadcast %ge3A_1111 : i32 to vector<256x1xi32>
    %ge3A_1113 = arith.cmpi sge, %add3A_1110, %ge3A_1112 : vector<256x1xi32>
    %select_n3A_1114 = arith.select %ge3A_1113, %or3A_1083, %select_n3A_1080 : vector<256x1xi1>, vector<256x1xi32>
    %sub3A_1115 = arith.constant 32768 : i32
    %sub3A_1116 = vector.broadcast %sub3A_1115 : i32 to vector<256x1xi32>
    %sub3A_1117 = arith.subi %select_n3A_540, %sub3A_1116 : vector<256x1xi32>
    %shift_left3A = arith.constant 16 : i32
    %shift_left3A_1118 = vector.broadcast %shift_left3A : i32 to vector<256x1xi32>
    %shift_left3A_1119 = arith.shli %sub3A_1117, %shift_left3A_1118 : vector<256x1xi32>
    %or3A_1120 = arith.ori %shift_left3A_1119, %select_n3A_1114 : vector<256x1xi32>
    %lt3A_1121 = arith.constant 0 : i32
    %lt3A_1122 = vector.broadcast %lt3A_1121 : i32 to vector<256x1xi32>
    %lt3A_1123 = arith.cmpi slt, %or3A_1120, %lt3A_1122 : vector<256x1xi32>
    %xor3A_1124 = arith.constant 2147483647 : i32
    %xor3A_1125 = vector.broadcast %xor3A_1124 : i32 to vector<256x1xi32>
    %xor3A_1126 = arith.xori %or3A_1120, %xor3A_1125 : vector<256x1xi32>
    %select_n3A_1127 = arith.select %lt3A_1123, %xor3A_1126, %or3A_1120 : vector<256x1xi1>, vector<256x1xi32>
    %bitcast_convert_type3A_1128 = tpu.bitcast %select_n3A_1127 : vector<256x1xi32> -> vector<256x1xf32>
    %ge3A_1129 = vector.broadcast %bitcast_convert_type3A_1128 : vector<256x1xf32> to vector<256x4096xf32>
    %ge3A_1130 = arith.cmpf oge, %get3A_1, %ge3A_1129 : vector<256x4096xf32>
    %jit3A_1131 = arith.constant 0.000000e+00 : f32
    %broadcast_in_dim3A_1132 = vector.broadcast %jit3A_1131 : f32 to vector<256x4096xf32>
    %select_n3A_1133 = arith.select %ge3A_1130, %get3A_1, %broadcast_in_dim3A_1132 : vector<256x4096xi1>, vector<256x4096xf32>
    %swap3A = arith.constant 0 : index
    %swap3A_1134 = arith.constant 0 : index
    %swap3A_1135 = vector.load %arg2[%swap3A, %swap3A_1134] : memref<256x4096xf32, #tpu.memory_space<vmem>>, vector<256x4096xf32>
    tpu.vector_store %arg2[%swap3A, %swap3A_1134], %select_n3A_1133 {strides = array<i32>} : memref<256x4096xf32, #tpu.memory_space<vmem>>, vector<256x4096xf32>,
    return
  }
  func.func @transform_0(%arg0: i32) -> (i32, i32) {
    %c0_i32 = arith.constant 0 : i32
    %c0_i32_0 = arith.constant 0 : i32
    return %arg0, %c0_i32 : i32, i32
  }
  func.func @transform_1(%arg0: i32) -> (i32, i32) {
    %c0_i32 = arith.constant 0 : i32
    %c0_i32_0 = arith.constant 0 : i32
    return %arg0, %c0_i32 : i32, i32
  }
}

module attributes {stable_mosaic.version = 14 : i64} {
  func.func @_apply_thr_kernel(%arg0: i32, %arg1: memref<256x4096xf32, #tpu.memory_space<vmem>>, %arg2: memref<256x128xf32, #tpu.memory_space<vmem>>, %arg3: memref<256x4096xf32, #tpu.memory_space<vmem>>, %arg4: memref<256x4096xf32, #tpu.memory_space<vmem>>) attributes {dimension_semantics = [#tpu.dimension_semantics<arbitrary>], iteration_bounds = array<i64: 5>, scalar_prefetch = 0 : i64, scratch_operands = 0 : i64, tpu.core_type = #tpu.core_type<tc>, window_params = [{transform_indices = @transform_0, window_bounds = array<i64: 256, 4096>}, {transform_indices = @transform_1, window_bounds = array<i64: 256, 128>}, {transform_indices = @transform_2, window_bounds = array<i64: 256, 4096>}, {transform_indices = @transform_3, window_bounds = array<i64: 256, 4096>}]} {
    %get3A = arith.constant 0 : index
    %get3A_0 = arith.constant 0 : index
    %get3A_1 = vector.load %arg1[%get3A, %get3A_0] : memref<256x4096xf32, #tpu.memory_space<vmem>>, vector<256x4096xf32>
    %get3A_2 = arith.constant 0 : index
    %get3A_3 = arith.constant 0 : index
    %get3A_4 = vector.load %arg2[%get3A_2, %get3A_3] : memref<256x128xf32, #tpu.memory_space<vmem>>, vector<256x1xf32>
    %ge3A = vector.broadcast %get3A_4 : vector<256x1xf32> to vector<256x4096xf32>
    %ge3A_5 = arith.cmpf oge, %get3A_1, %ge3A : vector<256x4096xf32>
    %get3A_6 = arith.constant 0 : index
    %get3A_7 = arith.constant 0 : index
    %get3A_8 = vector.load %arg1[%get3A_6, %get3A_7] : memref<256x4096xf32, #tpu.memory_space<vmem>>, vector<256x4096xf32>
    %jit3A = arith.constant 0.000000e+00 : f32
    %broadcast_in_dim3A = vector.broadcast %jit3A : f32 to vector<256x4096xf32>
    %select_n3A = arith.select %ge3A_5, %get3A_8, %broadcast_in_dim3A : vector<256x4096xi1>, vector<256x4096xf32>
    %swap3A = arith.constant 0 : index
    %swap3A_9 = arith.constant 0 : index
    %swap3A_10 = vector.load %arg4[%swap3A, %swap3A_9] : memref<256x4096xf32, #tpu.memory_space<vmem>>, vector<256x4096xf32>
    tpu.vector_store %arg4[%swap3A, %swap3A_9], %select_n3A {strides = array<i32>} : memref<256x4096xf32, #tpu.memory_space<vmem>>, vector<256x4096xf32>,
    return
  }
  func.func @transform_0(%arg0: i32) -> (i32, i32) {
    %add3A = arith.constant 27 : i32
    %add3A_0 = arith.addi %arg0, %add3A : i32
    %c0_i32 = arith.constant 0 : i32
    %c0_i32_1 = arith.constant 0 : i32
    return %add3A_0, %c0_i32 : i32, i32
  }
  func.func @transform_1(%arg0: i32) -> (i32, i32) {
    %c0_i32 = arith.constant 0 : i32
    %c0_i32_0 = arith.constant 0 : i32
    return %arg0, %c0_i32 : i32, i32
  }
  func.func @transform_2(%arg0: i32) -> (i32, i32) {
    %add3A = arith.constant 27 : i32
    %add3A_0 = arith.addi %arg0, %add3A : i32
    %c0_i32 = arith.constant 0 : i32
    %c0_i32_1 = arith.constant 0 : i32
    return %add3A_0, %c0_i32 : i32, i32
  }
  func.func @transform_3(%arg0: i32) -> (i32, i32) {
    %add3A = arith.constant 27 : i32
    %add3A_0 = arith.addi %arg0, %add3A : i32
    %c0_i32 = arith.constant 0 : i32
    %c0_i32_1 = arith.constant 0 : i32
    return %add3A_0, %c0_i32 : i32, i32
  }
}

</mosaic_0001>

<sc_bundles>
// kernel: kernel.5.cloned.1.call-start
scs
__scs_entry_jumppad:
0x0: {  	(pc) =	sbr.rel $0x88, $3  }
0x1: {  	(tag) =	ssettag $0x0;
	lr =	simm.s32 $0x1  }
0x2: {  	[smem:$0x3FA0] =	sst lr;
	_ =	strace $0xD0000000  }
0x3: {  	_ = 	snop  }
0x4: {  	_ = 	snop  }
0x5: {  	_ = 	snop  }
0x6: {  	_ = 	snop  }
0x7: {  	_ = 	snop  }
__scs_overlays_trampoline_lowered:
0x8: {  	[smem:$0x3FAF] =	sst s0  }
0x9: {  	[smem:$0x3FB0] =	sst s1  }
0xa: {  	[smem:$0x3FB1] =	sst s2  }
0xb: {  	[smem:$0x3FB2] =	sst s3  }
0xc: {  	[smem:$0x3FB3] =	sst s4  }
0xd: {  	[smem:$0x3FB4] =	sst s5  }
0xe: {  	[smem:$0x3FB5] =	sst s6  }
0xf: {  	[smem:$0x3FB6] =	sst s7  }
0x10: {  	[smem:$0x3FB7] =	sst s8  }
0x11: {  	[smem:$0x3FB8] =	sst s9;
	s0 =	simm.s32 @!p0 $0x0  }
0x12: {  	s1 =	sld [smem:$0x3F9E];
	s0 =	simm.s32 @p0 $0x1  }
0x13: {  	[smem:$0x3FB9] =	sst s0;
	s0 =	simm.s32 @!p1 $0x0  }
0x14: {  	s2 =	sld [smem:$0x3F9D];
	s0 =	simm.s32 @p1 $0x1  }
0x15: {  	[smem:$0x3FBA] =	sst s0;
	s0 =	simm.s32 @!p2 $0x0  }
0x16: {  	s3 =	sld [smem:$0x3FDB];
	s0 =	simm.s32 @p2 $0x1  }
0x17: {  	s4 =	simm.s32 $0x1BF5;
	[smem:$0x3FBC] =	sst s0  }
0x18: {  	s0 =	sld [smem:$0x3F9F];
	_ =	swait.ge [sflag:s4], $0x0  }
0x19: {  	s7 =	sld [smem:$0x3FA0]  }
0x1a: {  	s8 =	sadd.s32 $0xFFFFE003, lr  }
0x1b: {  	s9 =	sadd.s32 $0xFFFFFEF7, lr;
	s5 =	simm.s32 $0xFFFFFFFF;
	p2 =	slt.u32 s8, $0xFFFFF086  }
0x1c: {  	p1 =	slt.u32 s9, $0xF7A;
	s5 =	simm.s32 @!p2 $0x0  }
0x1d: {  	s5 =	simm.s32 @p1 $0x1;
	p0 =	seq.s32 s7, s2  }
0x1e: {  	s7 =	smul.u32 @!p0 $0xF7A, s2;
	p2 =	seq.s32 @!p0 s5, $0x0  }
0x1f: {  	s9 =	smul.u32 $0xF7A, s1;
	s8 =	simm.s32 @!p0 $0x1BF5;
	p2 =	por !p2, p0  }
0x20: {  	[sflag:s8] =	ssyncset.s32 @!p0 $0xFFFFF086;
	s6 =	sadd.s32 @!p0 s3, s7;
	s7 =	simm.s32 @!p0 $0x108  }
0x21: {  	s3 =	sadd.s32 s3, s9;
	s6 =	sadd.s32 @!p0 $0x88, s6;
	s7 =	simm.s32 @p2 $0x1082  }
0x22: {  	[simem:s7], [sflag:s8] =	dma.local @!p0 [hbm:s6], $0xF7A  }
0x23: {  	s9 =	sor.u32 $0xD0000000, s2;
	s6 =	simm.s32 $0x108;
	_ =	swait.ge @!p0 [sflag:s8], $0x0  }
0x24: {  	s3 =	sadd.s32 $0x88, s3;
	s6 =	simm.s32 @!p1 $0x1082;
	[sflag:s4] =	ssyncset.s32 $0xFFFFF086  }
0x25: {  	[simem:s6], [sflag:s4] =	dma.local [hbm:s3], $0xF7A  }
0x26: {  	[smem:$0x3FA0] =	sst s1;
	(tag) =	ssettag s2;
	_ =	strace s9  }
0x27: {  	s1 =	sld [smem:$0x3FB0]  }
0x28: {  	s2 =	sld [smem:$0x3FB1]  }
0x29: {  	s4 =	sld [smem:$0x3FB3]  }
0x2a: {  	p0 =	seq.s32 s5, $0x0;
	s5 =	sld [smem:$0x3FB4]  }
0x2b: {  	s6 =	sld [smem:$0x3FB5]  }
0x2c: {  	s7 =	sld [smem:$0x3FB6]  }
0x2d: {  	s3 =	simm.s32 $0x108;
	s8 =	sld [smem:$0x3FB7]  }
0x2e: {  	s3 =	simm.s32 @!p0 $0x1082;
	s9 =	sld [smem:$0x3FB8]  }
0x2f: {  	lr =	sadd.s32 s0, s3;
	s0 =	sld [smem:$0x3FAF]  }
0x30: {  	s3 =	sld [smem:$0x3FB2]  }
0x31: {  	[smem:$0x3FBB] =	sst s10  }
0x32: {  	s10 =	sld [smem:$0x3FB9];
	_ =	sdelay $0x3  }
0x33: {  	p0 =	seq.s32 s10, $0x1;
	s10 =	sld [smem:$0x3FBB];
	_ =	sdelay $0x3  }
0x34: {  	[smem:$0x3FBB] =	sst s10  }
0x35: {  	s10 =	sld [smem:$0x3FBA];
	_ =	sdelay $0x3  }
0x36: {  	p1 =	seq.s32 s10, $0x1;
	s10 =	sld [smem:$0x3FBB];
	_ =	sdelay $0x3  }
0x37: {  	[smem:$0x3FBB] =	sst s10  }
0x38: {  	s10 =	sld [smem:$0x3FBC]  }
0x39: {  	_ = 	snop;
	(pc) =	sbr.ind lr, $3  }
0x3a: {  	_ = 	snop  }
0x3b: {  	_ = 	snop  }
0x3c: {  	p2 =	seq.s32 s10, $0x1;
	s10 =	sld [smem:$0x3FBB]  }
0x3d: {  	_ =	shalt  }
0x3e: {  	_ =	shalt  }
0x3f: {  	_ =	shalt  }
0x40: {  	_ =	shalt  }
0x41: {  	_ =	shalt  }
0x42: {  	_ =	shalt  }
0x43: {  	_ =	shalt  }
0x44: {  	_ =	shalt  }
0x45: {  	_ =	shalt  }
0x46: {  	_ =	shalt  }
0x47: {  	_ =	shalt  }
0x48: {  	_ =	shalt  }
0x49: {  	_ =	shalt  }
0x4a: {  	_ =	shalt  }
0x4b: {  	_ =	shalt  }
0x4c: {  	_ =	shalt  }
0x4d: {  	_ =	shalt  }
0x4e: {  	_ =	shalt  }
0x4f: {  	_ =	shalt  }
0x50: {  	_ =	shalt  }
0x51: {  	_ =	shalt  }
0x52: {  	_ =	shalt  }
0x53: {  	_ =	shalt  }
0x54: {  	_ =	shalt  }
0x55: {  	_ =	shalt  }
0x56: {  	_ =	shalt  }
0x57: {  	_ =	shalt  }
0x58: {  	_ =	shalt  }
0x59: {  	_ =	shalt  }
0x5a: {  	_ =	shalt  }
0x5b: {  	_ =	shalt  }
0x5c: {  	_ =	shalt  }
0x5d: {  	_ =	shalt  }
0x5e: {  	_ =	shalt  }
0x5f: {  	_ =	shalt  }
0x60: {  	_ =	shalt  }
0x61: {  	_ =	shalt  }
0x62: {  	_ =	shalt  }
0x63: {  	_ =	shalt  }
0x64: {  	_ =	shalt  }
0x65: {  	_ =	shalt  }
0x66: {  	_ =	shalt  }
0x67: {  	_ =	shalt  }
0x68: {  	_ =	shalt  }
0x69: {  	_ =	shalt  }
0x6a: {  	_ =	shalt  }
0x6b: {  	_ =	shalt  }
0x6c: {  	_ =	shalt  }
0x6d: {  	_ =	shalt  }
0x6e: {  	_ =	shalt  }
0x6f: {  	_ =	shalt  }
0x70: {  	_ =	shalt  }
0x71: {  	_ =	shalt  }
0x72: {  	_ =	shalt  }
0x73: {  	_ =	shalt  }
0x74: {  	_ =	shalt  }
0x75: {  	_ =	shalt  }
0x76: {  	_ =	shalt  }
0x77: {  	_ =	shalt  }
0x78: {  	_ =	shalt  }
0x79: {  	_ =	shalt  }
0x7a: {  	_ =	shalt  }
0x7b: {  	_ =	shalt  }
0x7c: {  	_ =	shalt  }
0x7d: {  	_ =	shalt  }
0x7e: {  	_ =	shalt  }
0x7f: {  	_ =	shalt  }
0x80: {  	_ =	shalt  }
0x81: {  	_ =	shalt  }
0x82: {  	_ =	shalt  }
0x83: {  	_ =	shalt  }
0x84: {  	_ =	shalt  }
0x85: {  	_ =	shalt  }
0x86: {  	_ =	shalt  }
0x87: {  	_ =	shalt  }
.Lfunc_end0:
.L_simem_size_0:
called_computation_lowered:
.L_overlay_start_0:
0x88: {  	s2 =	sld [smem:$0x3FD9]  }
0x89: {  	s3 =	sld [smem:$0x3FFE];
	_ =	sdelay $0x1  }
0x8a: {  	s1 =	srdreg.scid  }
0x8b: {  	s0 =	sand.u32 $0x1, s1  }
0x8c: {  	s17 =	sshll.u32 s0, $0xA;
	s2 =	sadd.s32 s3, s2  }
0x8d: {  	s2 =	sadd.s32 s2, s17  }
0x8e: {  	[smem:$0x3FC7] =	sst s2  }
0x8f: {  	_ = 	snop  }
0x90: {  	s2 =	sld [smem:$0x3FC9];
	(tm) =	ssettm $0x1  }
0x91: {  	s18 =	sld [smem:$0x3FFB];
	_ =	sdelay $0x3  }
0x92: {  	_ =	strace s18  }
0x93: {  	s3 =	sld [smem:$0x3FFC];
	_ =	sdelay $0x3  }
0x94: {  	_ =	strace s3  }
0x95: {  	s3 =	sld [smem:$0x3FFD];
	_ =	sdelay $0x3  }
0x96: {  	_ =	strace s3  }
0x97: {  	_ =	strace $0x8FFFFFFF  }
0x98: {  	s19 =	sld [smem:$0x3FDB];
	_ =	sdelay $0x1  }
0x99: {  	s4 =	simm.s32 $_scs_section_size  }
0x9a: {  	s5 =	simm.s32 $_size__tile_overlayer_lowered;
	s6 =	simm.s32 $_tile_overlayer_lowered  }
0x9b: {  	s22 =	simm.s32 $0x1BFF;
	s21 =	sshll.u32 s6, $0x1;
	s3 =	sadd.s32 s4, s19  }
0x9c: {  	s7 =	simm.s32 $0x0;
	s20 =	sshll.u32 s5, $0x1;
	s5 =	sadd.s32 s21, s3  }
0x9d: {  	[timem:s7], [sflag:s22] =	dma.local [hbm:s5], s20  }
0x9e: {  	_ =	swait.ge [sflag:s22], s20  }
0x9f: {  	s4 =	ssub.s32 $0x0, s20;
	[sflag:s22] =	ssyncset.done $0x0  }
0xa0: {  	[sflag:s22] =	ssyncadd.s32 s4;
	_ =	sdelay $0x1  }
0xa1: {  	s23 =	simm.s32 $0x1B8B  }
0xa2: {  	_ =	swait.ge [sflag:s23], $0x1  }
0xa3: {  	[sflag:s23] =	ssyncset.done $0x0  }
0xa4: {  	s25 =	simm.s32 $0x1B8E;
	s24 =	sld [smem:$0x3FFE];
	[sflag:s23] =	ssyncadd.s32 $0xFFFFFFFF  }
0xa5: {  	s26 =	simm.s32 $execute0_lowered;
	[smem:$0x3FD2] =	sst s25  }
0xa6: {  	s5 =	sshll.u32 s26, $0x1;
	_ =	strace $0x80000046;
	[dreg:$0x1] =	wrdreg $0xFFFFFFFF  }
0xa7: {  	s28 =	simm.s32 $_size_execute0_lowered;
	s3 =	sadd.s32 s3, s5;
	[dreg:$0x0] =	wrdreg $0x0  }
0xa8: {  	s5 =	sshll.u32 s28, $0x1;
	[dreg:$0x2] =	wrdreg s3  }
0xa9: {  	[dreg:$0x3] =	wrdreg s5  }
0xaa: {  	[dreg:$0x4] =	wrdreg $0xC0  }
0xab: {  	_ =	task [dreg:s7], $0x5FFFF  }
0xac: {  	[dreg:$0x1] =	wrdreg $0xFFFFFFFF  }
0xad: {  	[dreg:$0x0] =	wrdreg $0x60  }
0xae: {  	[dreg:$0x2] =	wrdreg s2  }
0xaf: {  	[dreg:$0x3] =	wrdreg s24  }
0xb0: {  	[dreg:$0x4] =	wrdreg $0x9  }
0xb1: {  	_ =	task.clear_ibuf [dreg:s7], $0x5FFFF;
	_ =	strace $0x90000046  }
0xb2: {  	s29 =	simm.s32 $0x9;
	_ =	strace $0x80000048  }
0xb3: {  	_ =	swait.ge [sflag:s29], $0x1  }
0xb4: {  	[sflag:s29] =	ssyncadd.s32 $0xFFFFFFFF  }
0xb5: {  	_ =	strace $0x90000048  }
0xb6: {  	_ =	sfence  }
0xb7: {  	s30 =	sld [smem:$0x0];
	_ =	sdelay $0x2  }
0xb8: {  	s31 =	sshll.u32 s1, $0xD;
	s1 =	sshrl.u32 s1, $0x2  }
0xb9: {  	s3 =	sand.u32 $0x4000, s31;
	s1 =	sadd.s32 s1, s30  }
0xba: {  	s0 =	sor.u32 s3, s0;
	s1 =	sshll.u32 s1, $0x11  }
0xbb: {  	s0 =	sor.u32 s1, s0  }
0xbc: {  	s0 =	sadd.s32 $0x8F2B, s0  }
0xbd: {  	[sflag:s0] =	ssyncadd.remote.s32 $0x1  }
0xbe: {  	_ =	sfence.sel $0xFFFF  }
0xbf: {  	[dreg:$0x0] =	wrdreg $0xFFFFFFFF;
	(pc) =	sbr.abs _section_cstart, $3  }
0xc0: {  	[dreg:$0x1] =	wrdreg $0xFFFFFFFF  }
0xc1: {  	_ =	task.clear_ibuf [dreg:s7], $0x2FFFF;
	_ =	strace $0x9FFFFFFF  }
0xc2: {  	(tm) =	ssettm $0x7FFFFFFF  }
0xc3: {  	_ =	shalt  }
tec
execute0_lowered:
.L_overlay_start_1:
0x0: {  	(tag) =	ssettag $0x1  }
0x1: {  	s2 =	rddreg [dreg:$0x0]  }
0x2: {  	s5 =	rddreg [dreg:$0x1]  }
0x3: {  	s3 =	srdreg.scid;
	s1 =	stileid.u32  }
0x4: {  	s0 =	rddreg [dreg:$0x2];
	s8 =	simm.s32 $0x80;
	s9 =	simm.s32 $0x400  }
0x5: {  	s10 =	simm.s32 $0x1000;
	s11 =	simm.s32 $0x1;
	s12 =	simm.s32 $0x80000000  }
0x6: {  	s13 =	simm.s32 $0x2000;
	s4 =	sand.u32 $0x1, s3;
	s6 =	sshll.u32 s1, $0x1  }
0x7: {  	s14 =	simm.s32 $0x0;
	s7 =	ssub.s32 $0x2, s4;
	s4 =	sor.u32 s4, s6  }
0x8: {  	s3 =	simm.s32 $0x0;
	s31 =	sshrl.u32 s7, $0x1;
	s4 =	smul.u32 $0x28, s4  }
0x9: {  	s5 =	sadd.s32 $0x600, s5;
	[smem:$0x7FF] =	sst s3;
	s7 =	ssub.s32 s7, s31  }
0xa: {  	v0 =	vimm.s32 $0x80000000;
	_ =	strace $0x80000047;
	s6 =	sadd.s32 $0x1B00, s4;
	s7 =	smax.u32 s7, $0x1  }
.LBB2_1:
0xb: {  	s15 =	simm.s32 $0x0  }
.LBB2_2:
0xc: {  	s16 =	sadd.s32 s15, s6;
	s17 =	sshll.u32 s15, $0x4  }
0xd: {  	s18 =	sshll.u32 s16, $0x9;
	s16 =	sand.u32 $0x70, s17  }
0xe: {  	s30 =	sand.u32 $0xFFFF000, s18;
	s31 =	sadd.s32 s2, s16  }
0xf: {  	s17 =	sadd.s32 s30, s31  }
0x10: {  	[tilespmem:s10], [sflag:$0x1] =	stream.strided.gather [hbm4b:s17+s8], $0x1000, s9, s8, $0x38;
	[tilespmem:$0x2080] =	vst v63  }
0x11: {  	_ =	swait.ge [sflag:s11], $0x1000  }
0x12: {  	[sflag:s11] =	ssyncset.done $0x0  }
0x13: {  	s19 =	simm.s32 $0x0;
	[sflag:s11] =	ssyncadd.s32 $0xFFFFF000  }
0x14: {  	v1 =	vld [tilespmem:s19+$0x1070]  }
0x15: {  	v6 =	vld [tilespmem:s19+$0x1000]  }
0x16: {  	v7 =	vld [tilespmem:s19+$0x1010]  }
0x17: {  	v5 =	vld [tilespmem:s19+$0x1020]  }
0x18: {  	v4 =	vld [tilespmem:s19+$0x1030]  }
0x19: {  	v2 =	vld [tilespmem:s19+$0x1040];
	vm0 =	vlt.s32 v1, $0x0;
	v8 =	vxor.u32 $0x7FFFFFFF, v1  }
0x1a: {  	v3 =	vld [tilespmem:s19+$0x1050];
	vm1 =	vlt.s32 v6, $0x0;
	v9 =	vxor.u32 $0x7FFFFFFF, v6;
	v8 =	vsel vm0, v8, v1  }
0x1b: {  	v63 =	vxor.u32 $0x7FFFFFFF, v7;
	v1 =	vld [tilespmem:s19+$0x1060];
	v6 =	vsel vm1, v9, v6;
	vm0 =	vlt.s32 v7, $0x0;
	[tilespmem:s19+$0x70] =	vst v8  }
0x1c: {  	s20 =	simm.s32 $0x400;
	s18 =	simm.s32 $0x80;
	s17 =	simm.s32 $0x0;
	[tilespmem:s19+$0x0] =	vst v6;
	v6 =	vsel vm0, v63, v7;
	vm0 =	vlt.s32 v5, $0x0;
	v7 =	vxor.u32 $0x7FFFFFFF, v5  }
.LBB2_3:
0x1d: {  	p0 =	sne.s32 s20, $0x3E00;
	v8 =	vld [tilespmem:s18+$0x1070];
	[tilespmem:s19+$0x10] =	vst v6;
	v5 =	vsel vm0, v7, v5;
	vm0 =	vlt.s32 v4, $0x0;
	v6 =	vxor.u32 $0x7FFFFFFF, v4  }
0x1e: {  	v7 =	vld [tilespmem:s18+$0x1000];
	[tilespmem:s19+$0x20] =	vst v5;
	v4 =	vsel vm0, v6, v4;
	vm0 =	vlt.s32 v2, $0x0;
	v5 =	vxor.u32 $0x7FFFFFFF, v2  }
0x1f: {  	v6 =	vld [tilespmem:s18+$0x1010];
	[tilespmem:s19+$0x30] =	vst v4;
	v2 =	vsel vm0, v5, v2;
	vm0 =	vlt.s32 v3, $0x0;
	v4 =	vxor.u32 $0x7FFFFFFF, v3  }
0x20: {  	v5 =	vld [tilespmem:s18+$0x1020];
	[tilespmem:s19+$0x40] =	vst v2;
	v2 =	vsel vm0, v4, v3;
	vm0 =	vlt.s32 v1, $0x0;
	v3 =	vxor.u32 $0x7FFFFFFF, v1  }
.Ltmp0:
0x21: {  	v4 =	vld [tilespmem:s18+$0x1030];
	[tilespmem:s19+$0x50] =	vst v2;
	v1 =	vsel vm0, v3, v1;
	(pc) =	sbr.rel @p0 .LBB2_3-.Ltmp0, $4  }
0x22: {  	v2 =	vld [tilespmem:s18+$0x1040];
	vm0 =	vlt.s32 v8, $0x0;
	v9 =	vxor.u32 $0x7FFFFFFF, v8;
	[tilespmem:s19+$0x60] =	vst v1;
	s19 =	smov.u32 s18  }
0x23: {  	vm1 =	vlt.s32 v7, $0x0;
	v1 =	vxor.u32 $0x7FFFFFFF, v7;
	v3 =	vld [tilespmem:s19+$0x1050];
	v8 =	vsel vm0, v9, v8  }
0x24: {  	v7 =	vsel vm1, v1, v7;
	vm0 =	vlt.s32 v6, $0x0;
	v9 =	vxor.u32 $0x7FFFFFFF, v6;
	v1 =	vld [tilespmem:s19+$0x1060];
	[tilespmem:s19+$0x70] =	vst v8  }
0x25: {  	s18 =	sshra.s32 s20, $0x2;
	s20 =	sadd.s32 $0x200, s20;
	[tilespmem:s19+$0x0] =	vst v7;
	v6 =	vsel vm0, v9, v6;
	vm0 =	vlt.s32 v5, $0x0;
	v7 =	vxor.u32 $0x7FFFFFFF, v5  }
0x26: {  	v8 =	vld [tilespmem:s18+$0x1070];
	[tilespmem:s19+$0x10] =	vst v6;
	v5 =	vsel vm0, v7, v5;
	vm5 =	vlt.s32 v4, $0x0;
	v55 =	vxor.u32 $0x7FFFFFFF, v4  }
0x27: {  	v6 =	vld [tilespmem:s18+$0x1000];
	[tilespmem:s19+$0x20] =	vst v5;
	v4 =	vsel vm5, v55, v4;
	vm6 =	vlt.s32 v2, $0x0;
	v56 =	vxor.u32 $0x7FFFFFFF, v2  }
0x28: {  	v5 =	vld [tilespmem:s18+$0x1010];
	[tilespmem:s19+$0x30] =	vst v4;
	v2 =	vsel vm6, v56, v2;
	vm7 =	vlt.s32 v3, $0x0;
	v57 =	vxor.u32 $0x7FFFFFFF, v3  }
0x29: {  	v4 =	vld [tilespmem:s18+$0x1020];
	[tilespmem:s19+$0x40] =	vst v2;
	v2 =	vsel vm7, v57, v3;
	vm8 =	vlt.s32 v1, $0x0;
	v58 =	vxor.u32 $0x7FFFFFFF, v1  }
0x2a: {  	v3 =	vld [tilespmem:s18+$0x1030];
	[tilespmem:s19+$0x50] =	vst v2;
	v1 =	vsel vm8, v58, v1  }
0x2b: {  	v2 =	vld [tilespmem:s18+$0x1040];
	[tilespmem:s19+$0x60] =	vst v1;
	vm9 =	vlt.s32 v8, $0x0;
	v1 =	vxor.u32 $0x7FFFFFFF, v8  }
0x2c: {  	v59 =	vld [tilespmem:s18+$0x1050];
	vm1 =	vlt.s32 v6, $0x0;
	v9 =	vxor.u32 $0x7FFFFFFF, v6;
	v1 =	vsel vm9, v1, v8  }
0x2d: {  	v60 =	vld [tilespmem:s18+$0x1060];
	v6 =	vsel vm1, v9, v6;
	vm10 =	vlt.s32 v5, $0x0;
	v61 =	vxor.u32 $0x7FFFFFFF, v5;
	[tilespmem:s18+$0x70] =	vst v1  }
0x2e: {  	[tilespmem:s18+$0x0] =	vst v6;
	v1 =	vsel vm10, v61, v5;
	vm11 =	vlt.s32 v4, $0x0;
	v62 =	vxor.u32 $0x7FFFFFFF, v4  }
0x2f: {  	[tilespmem:s18+$0x10] =	vst v1;
	v1 =	vsel vm11, v62, v4;
	vm12 =	vlt.s32 v3, $0x0;
	v63 =	vxor.u32 $0x7FFFFFFF, v3  }
0x30: {  	[tilespmem:s18+$0x20] =	vst v1;
	v1 =	vsel vm12, v63, v3;
	vm13 =	vlt.s32 v2, $0x0;
	v3 =	vxor.u32 $0x7FFFFFFF, v2  }
0x31: {  	[tilespmem:s18+$0x30] =	vst v1;
	v1 =	vsel vm13, v3, v2;
	vm14 =	vlt.s32 v59, $0x0;
	v2 =	vxor.u32 $0x7FFFFFFF, v59  }
0x32: {  	vm15 =	vlt.s32 v60, $0x0;
	[tilespmem:s18+$0x40] =	vst v1;
	v1 =	vsel vm14, v2, v59;
	v2 =	vxor.u32 $0x7FFFFFFF, v60  }
0x33: {  	[tilespmem:s18+$0x50] =	vst v1;
	v2 =	vsel vm15, v2, v60  }
0x34: {  	v1 =	vimm.s32 $0x0;
	[tilespmem:s18+$0x60] =	vst v2  }
.LBB2_5:
0x35: {  	s18 =	simm.s32 $0x0  }
0x36: {  	v6 =	vld [tilespmem:s18+$0x80]  }
0x37: {  	v3 =	vld [tilespmem:s18+$0xC0]  }
0x38: {  	v5 =	vld [tilespmem:s18+$0xA0]  }
0x39: {  	v8 =	vld [tilespmem:s18+$0xB0]  }
0x3a: {  	v9 =	vld [tilespmem:s18+$0xF0]  }
0x3b: {  	v7 =	vld [tilespmem:s18+$0x50]  }
0x3c: {  	v10 =	vld [tilespmem:s18+$0x70]  }
0x3d: {  	s19 =	sshrl.u32 s12, s17;
	v13 =	vld [tilespmem:s18+$0x30]  }
0x3e: {  	v2 =	vor.u32 s19, v1;
	v12 =	vld [tilespmem:s18+$0x60]  }
0x3f: {  	v11 =	vld [tilespmem:s18+$0x0];
	v4 =	vxor.u32 $0x80000000, v2  }
0x40: {  	v18 =	vimm.s32 $0x0;
	v16 =	vld [tilespmem:s18+$0x20];
	vm1 =	vge.s32 v5, v4;
	vm2 =	vge.s32 v7, v4  }
0x41: {  	v15 =	vld [tilespmem:s18+$0x90];
	vm0 =	vge.s32 v3, v4;
	v5 =	vmpcnt.ones.xlane vm1;
	v7 =	vmpcnt.ones.xlane vm2  }
0x42: {  	v14 =	vld [tilespmem:s18+$0xE0];
	vm1 =	vge.s32 v10, v4;
	v3 =	vmpcnt.ones.xlane vm0;
	vm2 =	vge.s32 v13, v4  }
0x43: {  	v17 =	vld [tilespmem:s18+$0x10];
	vm0 =	vge.s32 v8, v4;
	v13 =	vimm.s32 $0x0;
	v8 =	vimm.s32 $0x0  }
0x44: {  	s19 =	simm.s32 $0x400;
	v10 =	vld [tilespmem:s18+$0xD0];
	v19 =	vmpcnt.ones.xlane vm2;
	vm2 =	vge.s32 v9, v4;
	v9 =	vimm.s32 $0x0  }
.LBB2_6:
0x45: {  	p0 =	sne.s32 s19, $0x3C00;
	v20 =	vld [tilespmem:s18+$0x40];
	s18 =	sshra.s32 s19, $0x2;
	s19 =	sadd.s32 $0x400, s19;
	vm3 =	vge.s32 v12, v4;
	v12 =	vmpcnt.ones.xlane vm1;
	v21 =	vmpcnt.ones.xlane vm2  }
0x46: {  	vm1 =	vge.s32 v16, v4;
	vm2 =	vge.s32 v6, v4;
	v16 =	vadd.s32 v18, v19;
	v6 =	vld [tilespmem:s18+$0x80]  }
0x47: {  	v19 =	vmpcnt.ones.xlane vm1;
	v22 =	vmpcnt.ones.xlane vm2;
	vm1 =	vge.s32 v15, v4;
	v18 =	vld [tilespmem:s18+$0xC0]  }
0x48: {  	v24 =	vmpcnt.ones.xlane vm0;
	vm2 =	vge.s32 v11, v4;
	v23 =	vmpcnt.ones.xlane vm1;
	v15 =	vld [tilespmem:s18+$0xA0]  }
0x49: {  	v16 =	vadd.s32 v12, v16;
	v11 =	vadd.s32 v13, v19;
	v13 =	vmpcnt.ones.xlane vm3;
	v25 =	vld [tilespmem:s18+$0xB0]  }
0x4a: {  	vm3 =	vge.s32 v14, v4;
	vm0 =	vge.s32 v17, v4;
	v26 =	vld [tilespmem:s18+$0xF0];
	vm1 =	vge.s32 v20, v4  }
0x4b: {  	v11 =	vadd.s32 v13, v11;
	v13 =	vmpcnt.ones.xlane vm3;
	v14 =	vld [tilespmem:s18+$0x50];
	v17 =	vmpcnt.ones.xlane vm1  }
0x4c: {  	v12 =	vld [tilespmem:s18+$0x60];
	vm3 =	vge.s32 v18, v4;
	v18 =	vmpcnt.ones.xlane vm0;
	vm0 =	vge.s32 v10, v4  }
0x4d: {  	v19 =	vmpcnt.ones.xlane vm2;
	v5 =	vadd.s32 v5, v11;
	v10 =	vld [tilespmem:s18+$0x70];
	vm1 =	vge.s32 v15, v4  }
0x4e: {  	v13 =	vadd.s32 v13, v5;
	v27 =	vmpcnt.ones.xlane vm0;
	v20 =	vld [tilespmem:s18+$0x30];
	v9 =	vadd.s32 v9, v18  }
0x4f: {  	v5 =	vmpcnt.ones.xlane vm1;
	v11 =	vld [tilespmem:s18+$0x0];
	v7 =	vadd.s32 v7, v9;
	v9 =	vadd.s32 v24, v16  }
.Ltmp1:
0x50: {  	v16 =	vld [tilespmem:s18+$0x20];
	vm0 =	vge.s32 v14, v4;
	v14 =	vadd.s32 v23, v7;
	v18 =	vadd.s32 v21, v9;
	(pc) =	sbr.rel @p0 .LBB2_6-.Ltmp1, $4  }
0x51: {  	v8 =	vadd.s32 v8, v19;
	v7 =	vmpcnt.ones.xlane vm0;
	v15 =	vld [tilespmem:s18+$0x90];
	v9 =	vadd.s32 v27, v14  }
0x52: {  	v8 =	vadd.s32 v17, v8;
	v21 =	vmpcnt.ones.xlane vm3;
	vm1 =	vge.s32 v10, v4;
	v10 =	vld [tilespmem:s18+$0xD0]  }
0x53: {  	v8 =	vadd.s32 v22, v8;
	vm0 =	vge.s32 v25, v4;
	vm2 =	vge.s32 v20, v4;
	v14 =	vld [tilespmem:s18+$0xE0]  }
0x54: {  	v8 =	vadd.s32 v3, v8;
	v3 =	vmovc v21;
	v17 =	vld [tilespmem:s18+$0x10];
	v19 =	vmpcnt.ones.xlane vm2;
	vm2 =	vge.s32 v26, v4  }
0x55: {  	vm3 =	vge.s32 v12, v4  }
0x56: {  	v48 =	vld [tilespmem:s18+$0x40];
	v20 =	vmpcnt.ones.xlane vm1;
	v21 =	vmpcnt.ones.xlane vm2;
	vm7 =	vge.s32 v16, v4  }
0x57: {  	vm8 =	vge.s32 v6, v4;
	vm10 =	vge.s32 v11, v4;
	v53 =	vmpcnt.ones.xlane vm0  }
0x58: {  	v49 =	vadd.s32 v18, v19;
	v50 =	vmpcnt.ones.xlane vm7;
	v51 =	vmpcnt.ones.xlane vm8  }
0x59: {  	vm9 =	vge.s32 v15, v4;
	v54 =	vmpcnt.ones.xlane vm3;
	v56 =	vmpcnt.ones.xlane vm10  }
0x5a: {  	v52 =	vmpcnt.ones.xlane vm9;
	v16 =	vadd.s32 v20, v49;
	vm11 =	vge.s32 v17, v4  }
0x5b: {  	vm14 =	vge.s32 v10, v4;
	vm12 =	vge.s32 v48, v4;
	v55 =	vmpcnt.ones.xlane vm11  }
0x5c: {  	v6 =	vadd.s32 v13, v50;
	vm13 =	vge.s32 v14, v4;
	v57 =	vmpcnt.ones.xlane vm12  }
0x5d: {  	v8 =	vadd.s32 v8, v56;
	v59 =	vmpcnt.ones.xlane vm14;
	v58 =	vadd.s32 v9, v55  }
0x5e: {  	v6 =	vadd.s32 v54, v6;
	v4 =	vadd.s32 v7, v58;
	v60 =	vadd.s32 v57, v8  }
0x5f: {  	s17 =	sadd.s32 $0x1, s17;
	v61 =	vmpcnt.ones.xlane vm13;
	v4 =	vadd.s32 v52, v4;
	v7 =	vadd.s32 v51, v60  }
0x60: {  	p0 =	sne.s32 s17, $0x20;
	v5 =	vadd.s32 v5, v6;
	v4 =	vadd.s32 v59, v4;
	v3 =	vadd.s32 v3, v7  }
.Ltmp2:
0x61: {  	v62 =	vadd.s32 v53, v16;
	v5 =	vadd.s32 v61, v5;
	v3 =	vadd.s32 v3, v4;
	(pc) =	sbr.rel @p0 .LBB2_5-.Ltmp2, $4  }
0x62: {  	v63 =	vadd.s32 v21, v62;
	v3 =	vadd.s32 v5, v3  }
0x63: {  	v3 =	vadd.s32 v63, v3  }
0x64: {  	vm15 =	vgt.s32 v3, $0xCB  }
0x65: {  	v1 =	vsel vm15, v2, v1  }
0x66: {  	vm0 =	vgt.s32 v1, $0xFFFFFFFF  }
0x67: {  	v2 =	vsel vm0, $0xFFFFFFFF, v0  }
0x68: {  	v1 =	vxor.u32 v1, v2  }
0x69: {  	[tilespmem:$0x2000] =	vst v1  }
0x6a: {  	[tilespmem:$0x2010] =	vst v1  }
0x6b: {  	[tilespmem:$0x2020] =	vst v1  }
0x6c: {  	[tilespmem:$0x2030] =	vst v1  }
0x6d: {  	s17 =	sadd.s32 s4, s15;
	[tilespmem:$0x2040] =	vst v1  }
0x6e: {  	s15 =	sadd.s32 $0x1, s15;
	s17 =	sshll.u32 s17, $0x4;
	[tilespmem:$0x2050] =	vst v1  }
0x6f: {  	s16 =	sadd.s32 s5, s16;
	p0 =	sne.s32 s15, $0x28;
	s17 =	sand.u32 $0xFFFFF80, s17;
	[tilespmem:$0x2060] =	vst v1  }
.Ltmp3:
0x70: {  	[tilespmem:$0x2070] =	vst v1;
	s16 =	sadd.s32 s17, s16;
	(pc) =	sbr.rel @p0 .LBB2_2-.Ltmp3, $4  }
0x71: {  	[hbm4b:s16+s3] =	stream.linear.scatter [tilespmem:s13], [sflag:$0x1], $0x80, $0x38;
	[tilespmem:$0x2080] =	vst v63  }
0x72: {  	_ =	swait.ge [sflag:s11], $0x80  }
0x73: {  	[sflag:s11] =	ssyncset.done $0x0  }
0x74: {  	[sflag:s11] =	ssyncadd.s32 $0xFFFFFF80  }
0x75: {  	s14 =	sadd.s32 $0x1, s14  }
0x76: {  	p0 =	sne.s32 s14, s7  }
.Ltmp4:
0x77: {  	_ = 	snop;
	(pc) =	sbr.rel @p0 .LBB2_1-.Ltmp4, $1  }
0x78: {  	_ =	sdelay $0x3  }
0x79: {  	_ =	sfence.sel $0x180000  }
0x7a: {  	[bflag:$0x0] =	sbarrier.arrive $0xFFFF  }
0x7b: {  	p0 =	sne.s32 s1, $0x0;
	_ =	strace $0x90000047  }
0x7c: {  	s0 =	sadd.s32 @!p0 $0x100000, s0;
	[bflag:$0x2] =	sbarrier.arrive $0xFFFF  }
0x7d: {  	[sflag:s0] =	ssyncadd.tile.s32 @!p0 $0x1;
	_ =	shalt  }
.Lfunc_end2:
_tile_overlayer_lowered:
.L_overlay_start_2:
0x7e: {  	(tag) =	ssettag $0x2  }
0x7f: {  	s0 =	rddreg [dreg:$0x0];
	s2 =	stileid.u32  }
0x80: {  	s1 =	rddreg [dreg:$0x1];
	p0 =	sne.s32 s2, $0x0  }
0x81: {  	s3 =	rddreg [dreg:$0x2];
	[bflag:$0x3] =	sbarrier.arrive $0xFFFF;
	s2 =	simm.s32 @!p0 $0x1C01  }
0x82: {  	[timem:s3], [sflag:s2] =	dma.local @!p0 [hbm:s0], s1  }
0x83: {  	s0 =	simm.s32 @!p0 $0x1  }
0x84: {  	_ =	swait.ge @!p0 [sflag:s0], s1  }
0x85: {  	s1 =	ssub.s32 @!p0 $0x0, s1;
	[sflag:s0] =	ssyncset.done @!p0 $0x0  }
0x86: {  	[sflag:s0] =	ssyncadd.s32 @!p0 s1  }
0x87: {  	[bflag:$0x3] =	sbarrier.arrive $0xFFFF  }
0x88: {  	_ =	shalt  }

</sc_bundles>
